<compile_context>
chip_gen: v7x
topology: tpu7x:2x2x1
jax: 0.10.2.dev20260603
libtpu: 0.0.44.dev20260713+nightly
codegen_flags: <defaults>
</compile_context>

<pallas_src>
import functools

import jax
import jax.numpy as jnp
from jax import lax
from jax.experimental import pallas as pl
from jax.experimental.pallas import tpu as pltpu
from jax.experimental.pallas import tpu_sc as plsc

VOCAB = 101
OUT = 128
BATCH = 16384
TBL = VOCAB * OUT

NUM_CORES = 2
NUM_SUBCORES = 16
NW = NUM_CORES * NUM_SUBCORES
BPW = BATCH // NW
CH = 64
NCH = BPW // CH
CPT = OUT // NUM_SUBCORES

_MESH = plsc.VectorSubcoreMesh(core_axis_name="c", subcore_axis_name="s")


@functools.partial(
    pl.kernel,
    mesh=_MESH,
    compiler_params=pltpu.CompilerParams(needs_layout_passes=False),
    out_type=jax.ShapeDtypeStruct((BATCH, OUT), jnp.float32),
    scratch_types=[
        pltpu.VMEM((16384,), jnp.float32),
        pltpu.VMEM((CPT, OUT), jnp.float32),
        pltpu.VMEM((BPW,), jnp.int32),
        pltpu.VMEM((3, CH, OUT), jnp.float32),
        pltpu.VMEM_SHARED((OUT, OUT), jnp.float32),
        pltpu.SemaphoreType.DMA,
        pltpu.SemaphoreType.DMA,
        pltpu.SemaphoreType.DMA,
    ],
)
def _lookup(w_hbm, idx_hbm, out_hbm, w_v, stage_v, idx_v, buf_v, tbl_sh,
            g_sem, w_sem, i_sem):
    c = lax.axis_index("c")
    s = lax.axis_index("s")
    wid = s * NUM_CORES + c
    base = wid * BPW

    cp_w = pltpu.async_copy(w_hbm, w_v.at[pl.ds(0, TBL)], i_sem)
    cp_i = pltpu.async_copy(idx_hbm.at[pl.ds(base, BPW)], idx_v, i_sem)
    cp_w.wait()

    lane = lax.iota(jnp.int32, 16)
    col0 = s * CPT

    def prep_body(i, _):
        vals = []
        for u in range(8):
            ii = i * 8 + u
            gidx = (col0 + ii // 8) + VOCAB * ((ii % 8) * 16) + VOCAB * lane
            vals.append(plsc.load_gather(w_v, [gidx]))
        for u in range(8):
            ii = i * 8 + u
            stage_v[ii // 8, pl.ds((ii % 8) * 16, 16)] = (
                1.0 / (1.0 + jnp.exp(-vals[u])))
        return 0

    lax.fori_loop(0, CPT * (OUT // 16) // 8, prep_body, 0)
    pltpu.sync_copy(stage_v, tbl_sh.at[pl.ds(col0, CPT)])
    plsc.subcore_barrier()
    cp_i.wait()

    gs = [None] * NCH
    ws = [None] * NCH
    gs[0] = pltpu.async_copy(
        tbl_sh.at[idx_v.at[pl.ds(0, CH)]], buf_v.at[0], g_sem)
    for k in range(NCH):
        gs[k].wait()
        if k + 1 < NCH:
            if k >= 2:
                ws[k - 2].wait()
            gs[k + 1] = pltpu.async_copy(
                tbl_sh.at[idx_v.at[pl.ds((k + 1) * CH, CH)]],
                buf_v.at[(k + 1) % 3], g_sem)
        ws[k] = pltpu.async_copy(
            buf_v.at[k % 3], out_hbm.at[pl.ds(base + k * CH, CH)], w_sem)
    ws[NCH - 3].wait()
    ws[NCH - 2].wait()
    ws[NCH - 1].wait()


def kernel(x, W):
    return _lookup(W.reshape(-1), x)

# --- scband reference (transcript-rebuilt; emitter-appended) ---
"""Pipeline reference for scband-mod-net-2662879723598 (READ-ONLY COPY).

The authoritative reference and input builder live on the scoring server;
editing this copy changes nothing except your own understanding.
"""

import jax, jax.numpy as jnp
import numpy as np

VOCAB = 101
OUT = 128
BATCH = 16384


def setup_inputs(seed: int = 0) -> dict:
    key = jax.random.key(seed)
    k1, k2 = jax.random.split(key)
    x = jax.random.randint(k1, (BATCH,), 0, VOCAB)
    # Learned parameter: nn.Linear(101, 128, bias=False) weight, shape [out, in] = [128, 101]
    W = jax.random.normal(k2, (OUT, VOCAB), dtype=jnp.float32) * (1.0 / np.sqrt(VOCAB))
    return {"x": x, "W": W}


def reference(x, W):
    # Faithful translation of Mod_Net.forward:
    #   z = zeros(b_s, 101); z[i, x[i]] = 1  -> one-hot scatter-set
    #   y = fc_mix(z) = z @ W.T              -> equivalent to gathering rows of W.T by x
    #   y = sigmoid(y)
    b_s = x.shape[0]
    z = jnp.zeros((b_s, VOCAB), dtype=jnp.float32)
    z = z.at[jnp.arange(b_s), x].set(1.0)
    y = z @ W.T
    y = jax.nn.sigmoid(y)
    return y

if __name__ == "__main__":
    import jax
    _d = setup_inputs()
    print(jax.jit(kernel)(*tuple(_d.values())))

</pallas_src>

<mosaic_0001>
#map = affine_map<(d0, d1) -> (0)>
#map1 = affine_map<(d0, d1) -> (0, 0)>
module attributes {stable_mosaic.version = 14 : i64} {
  func.func @_lookup(%arg0: i32, %arg1: i32, %arg2: memref<12928xf32, #tpu.memory_space<hbm>>, %arg3: memref<16384xi32, #tpu.memory_space<hbm>>, %arg4: memref<16384x128xf32, #tpu.memory_space<hbm>>, %arg5: memref<16384xf32, #tpu.memory_space<vmem>>, %arg6: memref<8x128xf32, #tpu.memory_space<vmem>>, %arg7: memref<512xi32, #tpu.memory_space<vmem>>, %arg8: memref<3x64x128xf32, #tpu.memory_space<vmem>>, %arg9: memref<128x128xf32, #tpu.memory_space<vmem_shared>>, %arg10: memref<!tpu.dma_semaphore, #tpu.memory_space<semaphore_mem>>, %arg11: memref<!tpu.dma_semaphore, #tpu.memory_space<semaphore_mem>>, %arg12: memref<!tpu.dma_semaphore, #tpu.memory_space<semaphore_mem>>) attributes {dimension_semantics = [#tpu.dimension_semantics<core_parallel>, #tpu.dimension_semantics<subcore_parallel>], iteration_bounds = array<i64: 2, 16>, scalar_prefetch = 0 : i64, scratch_operands = 8 : i64, tpu.core_type = #tpu.core_type<sc_vector_subcore>, window_params = [{transform_indices = #map}, {transform_indices = #map}, {transform_indices = #map1}]} {
    %mul3A = arith.constant 2 : i32
    %mul3A_0 = arith.muli %arg1, %mul3A : i32
    %add3A = arith.addi %mul3A_0, %arg0 : i32
    %mul3A_1 = arith.constant 512 : i32
    %mul3A_2 = arith.muli %add3A, %mul3A_1 : i32
    %dma_start3A = arith.constant 0 : i32
    %dma_start3A_3 = tpu.memref_slice %arg5[%dma_start3A] : memref<16384xf32, #tpu.memory_space<vmem>> -> memref<12928xf32, #tpu.memory_space<vmem>>
    %dma_start3A_4 = arith.constant 0 : i32
    %dma_start3A_5 = tpu.memref_slice %arg5[%dma_start3A_4] : memref<16384xf32, #tpu.memory_space<vmem>> -> memref<12928xf32, #tpu.memory_space<vmem>>
    tpu.enqueue_dma source(%arg2 : memref<12928xf32, #tpu.memory_space<hbm>>) target(%dma_start3A_5 : memref<12928xf32, #tpu.memory_space<vmem>>) target_semaphore(%arg12 : memref<!tpu.dma_semaphore, #tpu.memory_space<semaphore_mem>>)
    %dma_start3A_6 = tpu.memref_slice %arg3[%mul3A_2] : memref<16384xi32, #tpu.memory_space<hbm>> -> memref<512xi32, #tpu.memory_space<hbm>>
    %dma_start3A_7 = tpu.memref_slice %arg3[%mul3A_2] : memref<16384xi32, #tpu.memory_space<hbm>> -> memref<512xi32, #tpu.memory_space<hbm>>
    tpu.enqueue_dma source(%dma_start3A_7 : memref<512xi32, #tpu.memory_space<hbm>>) target(%arg7 : memref<512xi32, #tpu.memory_space<vmem>>) target_semaphore(%arg12 : memref<!tpu.dma_semaphore, #tpu.memory_space<semaphore_mem>>)
    %dma_wait3A = arith.constant 0 : i32
    %dma_wait3A_8 = tpu.memref_slice %arg5[%dma_wait3A] : memref<16384xf32, #tpu.memory_space<vmem>> -> memref<12928xf32, #tpu.memory_space<vmem>>
    %dma_wait3A_9 = arith.constant 0 : i32
    %dma_wait3A_10 = tpu.memref_slice %arg5[%dma_wait3A_9] : memref<16384xf32, #tpu.memory_space<vmem>> -> memref<12928xf32, #tpu.memory_space<vmem>>
    tpu.wait_dma2 semaphore(%arg12 : memref<!tpu.dma_semaphore, #tpu.memory_space<semaphore_mem>>) src(%arg2 : memref<12928xf32, #tpu.memory_space<hbm>>) dst(%dma_wait3A_10 : memref<12928xf32, #tpu.memory_space<vmem>>)
    %iota3A = tpu.iota {dimensions = array<i32: 0>} : vector<16xi32>
    %mul3A_11 = arith.constant 8 : i32
    %mul3A_12 = arith.muli %arg1, %mul3A_11 : i32
    %scan3A = arith.constant 0 : i32
    %scan3A_13 = arith.constant 0 : i32
    %scan3A_14 = arith.constant 8 : i32
    %scan3A_15 = arith.addi %scan3A_13, %scan3A_14 : i32
    %scan3A_16 = arith.constant 1 : i32
    %scan3A_17 = scf.for %scan3A_405 = %scan3A_13 to %scan3A_15 step %scan3A_16 iter_args(%scan3A_406 = %scan3A) -> (i32)  : i32 {
      %mul3A_407 = arith.constant 8 : i32
      %mul3A_408 = arith.muli %scan3A_405, %mul3A_407 : i32
      %add3A_409 = arith.constant 0 : i32
      %add3A_410 = arith.addi %mul3A_408, %add3A_409 : i32
      %jit3A = arith.constant 8 : i32
      %div3A = arith.divsi %add3A_410, %jit3A : i32
      %sign3A = arith.constant 0 : i32
      %sign3A_411 = arith.cmpi sgt, %add3A_410, %sign3A : i32
      %sign3A_412 = arith.extui %sign3A_411 : i1 to i32
      %sign3A_413 = arith.constant 0 : i32
      %sign3A_414 = arith.cmpi slt, %add3A_410, %sign3A_413 : i32
      %sign3A_415 = arith.extui %sign3A_414 : i1 to i32
      %sign3A_416 = arith.subi %sign3A_412, %sign3A_415 : i32
      %sign3A_417 = arith.constant 0 : i32
      %sign3A_418 = arith.cmpi sgt, %jit3A, %sign3A_417 : i32
      %sign3A_419 = arith.extui %sign3A_418 : i1 to i32
      %sign3A_420 = arith.constant 0 : i32
      %sign3A_421 = arith.cmpi slt, %jit3A, %sign3A_420 : i32
      %sign3A_422 = arith.extui %sign3A_421 : i1 to i32
      %sign3A_423 = arith.subi %sign3A_419, %sign3A_422 : i32
      %ne3A = arith.cmpi ne, %sign3A_416, %sign3A_423 : i32
      %rem3A = arith.remsi %add3A_410, %jit3A : i32
      %ne3A_424 = arith.constant 0 : i32
      %ne3A_425 = arith.cmpi ne, %rem3A, %ne3A_424 : i32
      %and3A = arith.andi %ne3A, %ne3A_425 : i1
      %sub3A = arith.constant 1 : i32
      %sub3A_426 = arith.subi %div3A, %sub3A : i32
      %select_n3A = arith.select %and3A, %sub3A_426, %div3A : i32
      %add3A_427 = arith.addi %mul3A_12, %select_n3A : i32
      %jit3A_428 = arith.constant 8 : i32
      %eq3A = arith.constant 0 : i32
      %eq3A_429 = arith.cmpi eq, %jit3A_428, %eq3A : i32
      %jit3A_430 = arith.constant 1 : i32
      %select_n3A_431 = arith.select %eq3A_429, %jit3A_430, %jit3A_428 : i32
      %rem3A_432 = arith.remsi %add3A_410, %select_n3A_431 : i32
      %ne3A_433 = arith.constant 0 : i32
      %ne3A_434 = arith.cmpi ne, %rem3A_432, %ne3A_433 : i32
      %lt3A = arith.constant 0 : i32
      %lt3A_435 = arith.cmpi slt, %rem3A_432, %lt3A : i32
      %lt3A_436 = arith.constant 0 : i32
      %lt3A_437 = arith.cmpi slt, %select_n3A_431, %lt3A_436 : i32
      %ne3A_438 = arith.xori %lt3A_435, %lt3A_437 : i1
      %and3A_439 = arith.andi %ne3A_438, %ne3A_434 : i1
      %add3A_440 = arith.addi %rem3A_432, %select_n3A_431 : i32
      %select_n3A_441 = arith.select %and3A_439, %add3A_440, %rem3A_432 : i32
      %mul3A_442 = arith.constant 16 : i32
      %mul3A_443 = arith.muli %select_n3A_441, %mul3A_442 : i32
      %mul3A_444 = arith.constant 101 : i32
      %mul3A_445 = arith.muli %mul3A_444, %mul3A_443 : i32
      %add3A_446 = arith.addi %add3A_427, %mul3A_445 : i32
      %mul3A_447 = arith.constant 101 : i32
      %mul3A_448 = vector.broadcast %mul3A_447 : i32 to vector<16xi32>
      %mul3A_449 = arith.muli %mul3A_448, %iota3A : vector<16xi32>
      %add3A_450 = vector.broadcast %add3A_446 : i32 to vector<16xi32>
      %add3A_451 = arith.addi %add3A_450, %mul3A_449 : vector<16xi32>
      %gather3A = tpu.vector_load_idx %arg5[%add3A_451] : memref<16384xf32, #tpu.memory_space<vmem>>[vector<16xi32>], vector<16xf32>,
      %mul3A_452 = arith.constant 8 : i32
      %mul3A_453 = arith.muli %scan3A_405, %mul3A_452 : i32
      %add3A_454 = arith.constant 1 : i32
      %add3A_455 = arith.addi %mul3A_453, %add3A_454 : i32
      %jit3A_456 = arith.constant 8 : i32
      %div3A_457 = arith.divsi %add3A_455, %jit3A_456 : i32
      %sign3A_458 = arith.constant 0 : i32
      %sign3A_459 = arith.cmpi sgt, %add3A_455, %sign3A_458 : i32
      %sign3A_460 = arith.extui %sign3A_459 : i1 to i32
      %sign3A_461 = arith.constant 0 : i32
      %sign3A_462 = arith.cmpi slt, %add3A_455, %sign3A_461 : i32
      %sign3A_463 = arith.extui %sign3A_462 : i1 to i32
      %sign3A_464 = arith.subi %sign3A_460, %sign3A_463 : i32
      %sign3A_465 = arith.constant 0 : i32
      %sign3A_466 = arith.cmpi sgt, %jit3A_456, %sign3A_465 : i32
      %sign3A_467 = arith.extui %sign3A_466 : i1 to i32
      %sign3A_468 = arith.constant 0 : i32
      %sign3A_469 = arith.cmpi slt, %jit3A_456, %sign3A_468 : i32
      %sign3A_470 = arith.extui %sign3A_469 : i1 to i32
      %sign3A_471 = arith.subi %sign3A_467, %sign3A_470 : i32
      %ne3A_472 = arith.cmpi ne, %sign3A_464, %sign3A_471 : i32
      %rem3A_473 = arith.remsi %add3A_455, %jit3A_456 : i32
      %ne3A_474 = arith.constant 0 : i32
      %ne3A_475 = arith.cmpi ne, %rem3A_473, %ne3A_474 : i32
      %and3A_476 = arith.andi %ne3A_472, %ne3A_475 : i1
      %sub3A_477 = arith.constant 1 : i32
      %sub3A_478 = arith.subi %div3A_457, %sub3A_477 : i32
      %select_n3A_479 = arith.select %and3A_476, %sub3A_478, %div3A_457 : i32
      %add3A_480 = arith.addi %mul3A_12, %select_n3A_479 : i32
      %jit3A_481 = arith.constant 8 : i32
      %eq3A_482 = arith.constant 0 : i32
      %eq3A_483 = arith.cmpi eq, %jit3A_481, %eq3A_482 : i32
      %jit3A_484 = arith.constant 1 : i32
      %select_n3A_485 = arith.select %eq3A_483, %jit3A_484, %jit3A_481 : i32
      %rem3A_486 = arith.remsi %add3A_455, %select_n3A_485 : i32
      %ne3A_487 = arith.constant 0 : i32
      %ne3A_488 = arith.cmpi ne, %rem3A_486, %ne3A_487 : i32
      %lt3A_489 = arith.constant 0 : i32
      %lt3A_490 = arith.cmpi slt, %rem3A_486, %lt3A_489 : i32
      %lt3A_491 = arith.constant 0 : i32
      %lt3A_492 = arith.cmpi slt, %select_n3A_485, %lt3A_491 : i32
      %ne3A_493 = arith.xori %lt3A_490, %lt3A_492 : i1
      %and3A_494 = arith.andi %ne3A_493, %ne3A_488 : i1
      %add3A_495 = arith.addi %rem3A_486, %select_n3A_485 : i32
      %select_n3A_496 = arith.select %and3A_494, %add3A_495, %rem3A_486 : i32
      %mul3A_497 = arith.constant 16 : i32
      %mul3A_498 = arith.muli %select_n3A_496, %mul3A_497 : i32
      %mul3A_499 = arith.constant 101 : i32
      %mul3A_500 = arith.muli %mul3A_499, %mul3A_498 : i32
      %add3A_501 = arith.addi %add3A_480, %mul3A_500 : i32
      %mul3A_502 = arith.constant 101 : i32
      %mul3A_503 = vector.broadcast %mul3A_502 : i32 to vector<16xi32>
      %mul3A_504 = arith.muli %mul3A_503, %iota3A : vector<16xi32>
      %add3A_505 = vector.broadcast %add3A_501 : i32 to vector<16xi32>
      %add3A_506 = arith.addi %add3A_505, %mul3A_504 : vector<16xi32>
      %gather3A_507 = tpu.vector_load_idx %arg5[%add3A_506] : memref<16384xf32, #tpu.memory_space<vmem>>[vector<16xi32>], vector<16xf32>,
      %mul3A_508 = arith.constant 8 : i32
      %mul3A_509 = arith.muli %scan3A_405, %mul3A_508 : i32
      %add3A_510 = arith.constant 2 : i32
      %add3A_511 = arith.addi %mul3A_509, %add3A_510 : i32
      %jit3A_512 = arith.constant 8 : i32
      %div3A_513 = arith.divsi %add3A_511, %jit3A_512 : i32
      %sign3A_514 = arith.constant 0 : i32
      %sign3A_515 = arith.cmpi sgt, %add3A_511, %sign3A_514 : i32
      %sign3A_516 = arith.extui %sign3A_515 : i1 to i32
      %sign3A_517 = arith.constant 0 : i32
      %sign3A_518 = arith.cmpi slt, %add3A_511, %sign3A_517 : i32
      %sign3A_519 = arith.extui %sign3A_518 : i1 to i32
      %sign3A_520 = arith.subi %sign3A_516, %sign3A_519 : i32
      %sign3A_521 = arith.constant 0 : i32
      %sign3A_522 = arith.cmpi sgt, %jit3A_512, %sign3A_521 : i32
      %sign3A_523 = arith.extui %sign3A_522 : i1 to i32
      %sign3A_524 = arith.constant 0 : i32
      %sign3A_525 = arith.cmpi slt, %jit3A_512, %sign3A_524 : i32
      %sign3A_526 = arith.extui %sign3A_525 : i1 to i32
      %sign3A_527 = arith.subi %sign3A_523, %sign3A_526 : i32
      %ne3A_528 = arith.cmpi ne, %sign3A_520, %sign3A_527 : i32
      %rem3A_529 = arith.remsi %add3A_511, %jit3A_512 : i32
      %ne3A_530 = arith.constant 0 : i32
      %ne3A_531 = arith.cmpi ne, %rem3A_529, %ne3A_530 : i32
      %and3A_532 = arith.andi %ne3A_528, %ne3A_531 : i1
      %sub3A_533 = arith.constant 1 : i32
      %sub3A_534 = arith.subi %div3A_513, %sub3A_533 : i32
      %select_n3A_535 = arith.select %and3A_532, %sub3A_534, %div3A_513 : i32
      %add3A_536 = arith.addi %mul3A_12, %select_n3A_535 : i32
      %jit3A_537 = arith.constant 8 : i32
      %eq3A_538 = arith.constant 0 : i32
      %eq3A_539 = arith.cmpi eq, %jit3A_537, %eq3A_538 : i32
      %jit3A_540 = arith.constant 1 : i32
      %select_n3A_541 = arith.select %eq3A_539, %jit3A_540, %jit3A_537 : i32
      %rem3A_542 = arith.remsi %add3A_511, %select_n3A_541 : i32
      %ne3A_543 = arith.constant 0 : i32
      %ne3A_544 = arith.cmpi ne, %rem3A_542, %ne3A_543 : i32
      %lt3A_545 = arith.constant 0 : i32
      %lt3A_546 = arith.cmpi slt, %rem3A_542, %lt3A_545 : i32
      %lt3A_547 = arith.constant 0 : i32
      %lt3A_548 = arith.cmpi slt, %select_n3A_541, %lt3A_547 : i32
      %ne3A_549 = arith.xori %lt3A_546, %lt3A_548 : i1
      %and3A_550 = arith.andi %ne3A_549, %ne3A_544 : i1
      %add3A_551 = arith.addi %rem3A_542, %select_n3A_541 : i32
      %select_n3A_552 = arith.select %and3A_550, %add3A_551, %rem3A_542 : i32
      %mul3A_553 = arith.constant 16 : i32
      %mul3A_554 = arith.muli %select_n3A_552, %mul3A_553 : i32
      %mul3A_555 = arith.constant 101 : i32
      %mul3A_556 = arith.muli %mul3A_555, %mul3A_554 : i32
      %add3A_557 = arith.addi %add3A_536, %mul3A_556 : i32
      %mul3A_558 = arith.constant 101 : i32
      %mul3A_559 = vector.broadcast %mul3A_558 : i32 to vector<16xi32>
      %mul3A_560 = arith.muli %mul3A_559, %iota3A : vector<16xi32>
      %add3A_561 = vector.broadcast %add3A_557 : i32 to vector<16xi32>
      %add3A_562 = arith.addi %add3A_561, %mul3A_560 : vector<16xi32>
      %gather3A_563 = tpu.vector_load_idx %arg5[%add3A_562] : memref<16384xf32, #tpu.memory_space<vmem>>[vector<16xi32>], vector<16xf32>,
      %mul3A_564 = arith.constant 8 : i32
      %mul3A_565 = arith.muli %scan3A_405, %mul3A_564 : i32
      %add3A_566 = arith.constant 3 : i32
      %add3A_567 = arith.addi %mul3A_565, %add3A_566 : i32
      %jit3A_568 = arith.constant 8 : i32
      %div3A_569 = arith.divsi %add3A_567, %jit3A_568 : i32
      %sign3A_570 = arith.constant 0 : i32
      %sign3A_571 = arith.cmpi sgt, %add3A_567, %sign3A_570 : i32
      %sign3A_572 = arith.extui %sign3A_571 : i1 to i32
      %sign3A_573 = arith.constant 0 : i32
      %sign3A_574 = arith.cmpi slt, %add3A_567, %sign3A_573 : i32
      %sign3A_575 = arith.extui %sign3A_574 : i1 to i32
      %sign3A_576 = arith.subi %sign3A_572, %sign3A_575 : i32
      %sign3A_577 = arith.constant 0 : i32
      %sign3A_578 = arith.cmpi sgt, %jit3A_568, %sign3A_577 : i32
      %sign3A_579 = arith.extui %sign3A_578 : i1 to i32
      %sign3A_580 = arith.constant 0 : i32
      %sign3A_581 = arith.cmpi slt, %jit3A_568, %sign3A_580 : i32
      %sign3A_582 = arith.extui %sign3A_581 : i1 to i32
      %sign3A_583 = arith.subi %sign3A_579, %sign3A_582 : i32
      %ne3A_584 = arith.cmpi ne, %sign3A_576, %sign3A_583 : i32
      %rem3A_585 = arith.remsi %add3A_567, %jit3A_568 : i32
      %ne3A_586 = arith.constant 0 : i32
      %ne3A_587 = arith.cmpi ne, %rem3A_585, %ne3A_586 : i32
      %and3A_588 = arith.andi %ne3A_584, %ne3A_587 : i1
      %sub3A_589 = arith.constant 1 : i32
      %sub3A_590 = arith.subi %div3A_569, %sub3A_589 : i32
      %select_n3A_591 = arith.select %and3A_588, %sub3A_590, %div3A_569 : i32
      %add3A_592 = arith.addi %mul3A_12, %select_n3A_591 : i32
      %jit3A_593 = arith.constant 8 : i32
      %eq3A_594 = arith.constant 0 : i32
      %eq3A_595 = arith.cmpi eq, %jit3A_593, %eq3A_594 : i32
      %jit3A_596 = arith.constant 1 : i32
      %select_n3A_597 = arith.select %eq3A_595, %jit3A_596, %jit3A_593 : i32
      %rem3A_598 = arith.remsi %add3A_567, %select_n3A_597 : i32
      %ne3A_599 = arith.constant 0 : i32
      %ne3A_600 = arith.cmpi ne, %rem3A_598, %ne3A_599 : i32
      %lt3A_601 = arith.constant 0 : i32
      %lt3A_602 = arith.cmpi slt, %rem3A_598, %lt3A_601 : i32
      %lt3A_603 = arith.constant 0 : i32
      %lt3A_604 = arith.cmpi slt, %select_n3A_597, %lt3A_603 : i32
      %ne3A_605 = arith.xori %lt3A_602, %lt3A_604 : i1
      %and3A_606 = arith.andi %ne3A_605, %ne3A_600 : i1
      %add3A_607 = arith.addi %rem3A_598, %select_n3A_597 : i32
      %select_n3A_608 = arith.select %and3A_606, %add3A_607, %rem3A_598 : i32
      %mul3A_609 = arith.constant 16 : i32
      %mul3A_610 = arith.muli %select_n3A_608, %mul3A_609 : i32
      %mul3A_611 = arith.constant 101 : i32
      %mul3A_612 = arith.muli %mul3A_611, %mul3A_610 : i32
      %add3A_613 = arith.addi %add3A_592, %mul3A_612 : i32
      %mul3A_614 = arith.constant 101 : i32
      %mul3A_615 = vector.broadcast %mul3A_614 : i32 to vector<16xi32>
      %mul3A_616 = arith.muli %mul3A_615, %iota3A : vector<16xi32>
      %add3A_617 = vector.broadcast %add3A_613 : i32 to vector<16xi32>
      %add3A_618 = arith.addi %add3A_617, %mul3A_616 : vector<16xi32>
      %gather3A_619 = tpu.vector_load_idx %arg5[%add3A_618] : memref<16384xf32, #tpu.memory_space<vmem>>[vector<16xi32>], vector<16xf32>,
      %mul3A_620 = arith.constant 8 : i32
      %mul3A_621 = arith.muli %scan3A_405, %mul3A_620 : i32
      %add3A_622 = arith.constant 4 : i32
      %add3A_623 = arith.addi %mul3A_621, %add3A_622 : i32
      %jit3A_624 = arith.constant 8 : i32
      %div3A_625 = arith.divsi %add3A_623, %jit3A_624 : i32
      %sign3A_626 = arith.constant 0 : i32
      %sign3A_627 = arith.cmpi sgt, %add3A_623, %sign3A_626 : i32
      %sign3A_628 = arith.extui %sign3A_627 : i1 to i32
      %sign3A_629 = arith.constant 0 : i32
      %sign3A_630 = arith.cmpi slt, %add3A_623, %sign3A_629 : i32
      %sign3A_631 = arith.extui %sign3A_630 : i1 to i32
      %sign3A_632 = arith.subi %sign3A_628, %sign3A_631 : i32
      %sign3A_633 = arith.constant 0 : i32
      %sign3A_634 = arith.cmpi sgt, %jit3A_624, %sign3A_633 : i32
      %sign3A_635 = arith.extui %sign3A_634 : i1 to i32
      %sign3A_636 = arith.constant 0 : i32
      %sign3A_637 = arith.cmpi slt, %jit3A_624, %sign3A_636 : i32
      %sign3A_638 = arith.extui %sign3A_637 : i1 to i32
      %sign3A_639 = arith.subi %sign3A_635, %sign3A_638 : i32
      %ne3A_640 = arith.cmpi ne, %sign3A_632, %sign3A_639 : i32
      %rem3A_641 = arith.remsi %add3A_623, %jit3A_624 : i32
      %ne3A_642 = arith.constant 0 : i32
      %ne3A_643 = arith.cmpi ne, %rem3A_641, %ne3A_642 : i32
      %and3A_644 = arith.andi %ne3A_640, %ne3A_643 : i1
      %sub3A_645 = arith.constant 1 : i32
      %sub3A_646 = arith.subi %div3A_625, %sub3A_645 : i32
      %select_n3A_647 = arith.select %and3A_644, %sub3A_646, %div3A_625 : i32
      %add3A_648 = arith.addi %mul3A_12, %select_n3A_647 : i32
      %jit3A_649 = arith.constant 8 : i32
      %eq3A_650 = arith.constant 0 : i32
      %eq3A_651 = arith.cmpi eq, %jit3A_649, %eq3A_650 : i32
      %jit3A_652 = arith.constant 1 : i32
      %select_n3A_653 = arith.select %eq3A_651, %jit3A_652, %jit3A_649 : i32
      %rem3A_654 = arith.remsi %add3A_623, %select_n3A_653 : i32
      %ne3A_655 = arith.constant 0 : i32
      %ne3A_656 = arith.cmpi ne, %rem3A_654, %ne3A_655 : i32
      %lt3A_657 = arith.constant 0 : i32
      %lt3A_658 = arith.cmpi slt, %rem3A_654, %lt3A_657 : i32
      %lt3A_659 = arith.constant 0 : i32
      %lt3A_660 = arith.cmpi slt, %select_n3A_653, %lt3A_659 : i32
      %ne3A_661 = arith.xori %lt3A_658, %lt3A_660 : i1
      %and3A_662 = arith.andi %ne3A_661, %ne3A_656 : i1
      %add3A_663 = arith.addi %rem3A_654, %select_n3A_653 : i32
      %select_n3A_664 = arith.select %and3A_662, %add3A_663, %rem3A_654 : i32
      %mul3A_665 = arith.constant 16 : i32
      %mul3A_666 = arith.muli %select_n3A_664, %mul3A_665 : i32
      %mul3A_667 = arith.constant 101 : i32
      %mul3A_668 = arith.muli %mul3A_667, %mul3A_666 : i32
      %add3A_669 = arith.addi %add3A_648, %mul3A_668 : i32
      %mul3A_670 = arith.constant 101 : i32
      %mul3A_671 = vector.broadcast %mul3A_670 : i32 to vector<16xi32>
      %mul3A_672 = arith.muli %mul3A_671, %iota3A : vector<16xi32>
      %add3A_673 = vector.broadcast %add3A_669 : i32 to vector<16xi32>
      %add3A_674 = arith.addi %add3A_673, %mul3A_672 : vector<16xi32>
      %gather3A_675 = tpu.vector_load_idx %arg5[%add3A_674] : memref<16384xf32, #tpu.memory_space<vmem>>[vector<16xi32>], vector<16xf32>,
      %mul3A_676 = arith.constant 8 : i32
      %mul3A_677 = arith.muli %scan3A_405, %mul3A_676 : i32
      %add3A_678 = arith.constant 5 : i32
      %add3A_679 = arith.addi %mul3A_677, %add3A_678 : i32
      %jit3A_680 = arith.constant 8 : i32
      %div3A_681 = arith.divsi %add3A_679, %jit3A_680 : i32
      %sign3A_682 = arith.constant 0 : i32
      %sign3A_683 = arith.cmpi sgt, %add3A_679, %sign3A_682 : i32
      %sign3A_684 = arith.extui %sign3A_683 : i1 to i32
      %sign3A_685 = arith.constant 0 : i32
      %sign3A_686 = arith.cmpi slt, %add3A_679, %sign3A_685 : i32
      %sign3A_687 = arith.extui %sign3A_686 : i1 to i32
      %sign3A_688 = arith.subi %sign3A_684, %sign3A_687 : i32
      %sign3A_689 = arith.constant 0 : i32
      %sign3A_690 = arith.cmpi sgt, %jit3A_680, %sign3A_689 : i32
      %sign3A_691 = arith.extui %sign3A_690 : i1 to i32
      %sign3A_692 = arith.constant 0 : i32
      %sign3A_693 = arith.cmpi slt, %jit3A_680, %sign3A_692 : i32
      %sign3A_694 = arith.extui %sign3A_693 : i1 to i32
      %sign3A_695 = arith.subi %sign3A_691, %sign3A_694 : i32
      %ne3A_696 = arith.cmpi ne, %sign3A_688, %sign3A_695 : i32
      %rem3A_697 = arith.remsi %add3A_679, %jit3A_680 : i32
      %ne3A_698 = arith.constant 0 : i32
      %ne3A_699 = arith.cmpi ne, %rem3A_697, %ne3A_698 : i32
      %and3A_700 = arith.andi %ne3A_696, %ne3A_699 : i1
      %sub3A_701 = arith.constant 1 : i32
      %sub3A_702 = arith.subi %div3A_681, %sub3A_701 : i32
      %select_n3A_703 = arith.select %and3A_700, %sub3A_702, %div3A_681 : i32
      %add3A_704 = arith.addi %mul3A_12, %select_n3A_703 : i32
      %jit3A_705 = arith.constant 8 : i32
      %eq3A_706 = arith.constant 0 : i32
      %eq3A_707 = arith.cmpi eq, %jit3A_705, %eq3A_706 : i32
      %jit3A_708 = arith.constant 1 : i32
      %select_n3A_709 = arith.select %eq3A_707, %jit3A_708, %jit3A_705 : i32
      %rem3A_710 = arith.remsi %add3A_679, %select_n3A_709 : i32
      %ne3A_711 = arith.constant 0 : i32
      %ne3A_712 = arith.cmpi ne, %rem3A_710, %ne3A_711 : i32
      %lt3A_713 = arith.constant 0 : i32
      %lt3A_714 = arith.cmpi slt, %rem3A_710, %lt3A_713 : i32
      %lt3A_715 = arith.constant 0 : i32
      %lt3A_716 = arith.cmpi slt, %select_n3A_709, %lt3A_715 : i32
      %ne3A_717 = arith.xori %lt3A_714, %lt3A_716 : i1
      %and3A_718 = arith.andi %ne3A_717, %ne3A_712 : i1
      %add3A_719 = arith.addi %rem3A_710, %select_n3A_709 : i32
      %select_n3A_720 = arith.select %and3A_718, %add3A_719, %rem3A_710 : i32
      %mul3A_721 = arith.constant 16 : i32
      %mul3A_722 = arith.muli %select_n3A_720, %mul3A_721 : i32
      %mul3A_723 = arith.constant 101 : i32
      %mul3A_724 = arith.muli %mul3A_723, %mul3A_722 : i32
      %add3A_725 = arith.addi %add3A_704, %mul3A_724 : i32
      %mul3A_726 = arith.constant 101 : i32
      %mul3A_727 = vector.broadcast %mul3A_726 : i32 to vector<16xi32>
      %mul3A_728 = arith.muli %mul3A_727, %iota3A : vector<16xi32>
      %add3A_729 = vector.broadcast %add3A_725 : i32 to vector<16xi32>
      %add3A_730 = arith.addi %add3A_729, %mul3A_728 : vector<16xi32>
      %gather3A_731 = tpu.vector_load_idx %arg5[%add3A_730] : memref<16384xf32, #tpu.memory_space<vmem>>[vector<16xi32>], vector<16xf32>,
      %mul3A_732 = arith.constant 8 : i32
      %mul3A_733 = arith.muli %scan3A_405, %mul3A_732 : i32
      %add3A_734 = arith.constant 6 : i32
      %add3A_735 = arith.addi %mul3A_733, %add3A_734 : i32
      %jit3A_736 = arith.constant 8 : i32
      %div3A_737 = arith.divsi %add3A_735, %jit3A_736 : i32
      %sign3A_738 = arith.constant 0 : i32
      %sign3A_739 = arith.cmpi sgt, %add3A_735, %sign3A_738 : i32
      %sign3A_740 = arith.extui %sign3A_739 : i1 to i32
      %sign3A_741 = arith.constant 0 : i32
      %sign3A_742 = arith.cmpi slt, %add3A_735, %sign3A_741 : i32
      %sign3A_743 = arith.extui %sign3A_742 : i1 to i32
      %sign3A_744 = arith.subi %sign3A_740, %sign3A_743 : i32
      %sign3A_745 = arith.constant 0 : i32
      %sign3A_746 = arith.cmpi sgt, %jit3A_736, %sign3A_745 : i32
      %sign3A_747 = arith.extui %sign3A_746 : i1 to i32
      %sign3A_748 = arith.constant 0 : i32
      %sign3A_749 = arith.cmpi slt, %jit3A_736, %sign3A_748 : i32
      %sign3A_750 = arith.extui %sign3A_749 : i1 to i32
      %sign3A_751 = arith.subi %sign3A_747, %sign3A_750 : i32
      %ne3A_752 = arith.cmpi ne, %sign3A_744, %sign3A_751 : i32
      %rem3A_753 = arith.remsi %add3A_735, %jit3A_736 : i32
      %ne3A_754 = arith.constant 0 : i32
      %ne3A_755 = arith.cmpi ne, %rem3A_753, %ne3A_754 : i32
      %and3A_756 = arith.andi %ne3A_752, %ne3A_755 : i1
      %sub3A_757 = arith.constant 1 : i32
      %sub3A_758 = arith.subi %div3A_737, %sub3A_757 : i32
      %select_n3A_759 = arith.select %and3A_756, %sub3A_758, %div3A_737 : i32
      %add3A_760 = arith.addi %mul3A_12, %select_n3A_759 : i32
      %jit3A_761 = arith.constant 8 : i32
      %eq3A_762 = arith.constant 0 : i32
      %eq3A_763 = arith.cmpi eq, %jit3A_761, %eq3A_762 : i32
      %jit3A_764 = arith.constant 1 : i32
      %select_n3A_765 = arith.select %eq3A_763, %jit3A_764, %jit3A_761 : i32
      %rem3A_766 = arith.remsi %add3A_735, %select_n3A_765 : i32
      %ne3A_767 = arith.constant 0 : i32
      %ne3A_768 = arith.cmpi ne, %rem3A_766, %ne3A_767 : i32
      %lt3A_769 = arith.constant 0 : i32
      %lt3A_770 = arith.cmpi slt, %rem3A_766, %lt3A_769 : i32
      %lt3A_771 = arith.constant 0 : i32
      %lt3A_772 = arith.cmpi slt, %select_n3A_765, %lt3A_771 : i32
      %ne3A_773 = arith.xori %lt3A_770, %lt3A_772 : i1
      %and3A_774 = arith.andi %ne3A_773, %ne3A_768 : i1
      %add3A_775 = arith.addi %rem3A_766, %select_n3A_765 : i32
      %select_n3A_776 = arith.select %and3A_774, %add3A_775, %rem3A_766 : i32
      %mul3A_777 = arith.constant 16 : i32
      %mul3A_778 = arith.muli %select_n3A_776, %mul3A_777 : i32
      %mul3A_779 = arith.constant 101 : i32
      %mul3A_780 = arith.muli %mul3A_779, %mul3A_778 : i32
      %add3A_781 = arith.addi %add3A_760, %mul3A_780 : i32
      %mul3A_782 = arith.constant 101 : i32
      %mul3A_783 = vector.broadcast %mul3A_782 : i32 to vector<16xi32>
      %mul3A_784 = arith.muli %mul3A_783, %iota3A : vector<16xi32>
      %add3A_785 = vector.broadcast %add3A_781 : i32 to vector<16xi32>
      %add3A_786 = arith.addi %add3A_785, %mul3A_784 : vector<16xi32>
      %gather3A_787 = tpu.vector_load_idx %arg5[%add3A_786] : memref<16384xf32, #tpu.memory_space<vmem>>[vector<16xi32>], vector<16xf32>,
      %mul3A_788 = arith.constant 8 : i32
      %mul3A_789 = arith.muli %scan3A_405, %mul3A_788 : i32
      %add3A_790 = arith.constant 7 : i32
      %add3A_791 = arith.addi %mul3A_789, %add3A_790 : i32
      %jit3A_792 = arith.constant 8 : i32
      %div3A_793 = arith.divsi %add3A_791, %jit3A_792 : i32
      %sign3A_794 = arith.constant 0 : i32
      %sign3A_795 = arith.cmpi sgt, %add3A_791, %sign3A_794 : i32
      %sign3A_796 = arith.extui %sign3A_795 : i1 to i32
      %sign3A_797 = arith.constant 0 : i32
      %sign3A_798 = arith.cmpi slt, %add3A_791, %sign3A_797 : i32
      %sign3A_799 = arith.extui %sign3A_798 : i1 to i32
      %sign3A_800 = arith.subi %sign3A_796, %sign3A_799 : i32
      %sign3A_801 = arith.constant 0 : i32
      %sign3A_802 = arith.cmpi sgt, %jit3A_792, %sign3A_801 : i32
      %sign3A_803 = arith.extui %sign3A_802 : i1 to i32
      %sign3A_804 = arith.constant 0 : i32
      %sign3A_805 = arith.cmpi slt, %jit3A_792, %sign3A_804 : i32
      %sign3A_806 = arith.extui %sign3A_805 : i1 to i32
      %sign3A_807 = arith.subi %sign3A_803, %sign3A_806 : i32
      %ne3A_808 = arith.cmpi ne, %sign3A_800, %sign3A_807 : i32
      %rem3A_809 = arith.remsi %add3A_791, %jit3A_792 : i32
      %ne3A_810 = arith.constant 0 : i32
      %ne3A_811 = arith.cmpi ne, %rem3A_809, %ne3A_810 : i32
      %and3A_812 = arith.andi %ne3A_808, %ne3A_811 : i1
      %sub3A_813 = arith.constant 1 : i32
      %sub3A_814 = arith.subi %div3A_793, %sub3A_813 : i32
      %select_n3A_815 = arith.select %and3A_812, %sub3A_814, %div3A_793 : i32
      %add3A_816 = arith.addi %mul3A_12, %select_n3A_815 : i32
      %jit3A_817 = arith.constant 8 : i32
      %eq3A_818 = arith.constant 0 : i32
      %eq3A_819 = arith.cmpi eq, %jit3A_817, %eq3A_818 : i32
      %jit3A_820 = arith.constant 1 : i32
      %select_n3A_821 = arith.select %eq3A_819, %jit3A_820, %jit3A_817 : i32
      %rem3A_822 = arith.remsi %add3A_791, %select_n3A_821 : i32
      %ne3A_823 = arith.constant 0 : i32
      %ne3A_824 = arith.cmpi ne, %rem3A_822, %ne3A_823 : i32
      %lt3A_825 = arith.constant 0 : i32
      %lt3A_826 = arith.cmpi slt, %rem3A_822, %lt3A_825 : i32
      %lt3A_827 = arith.constant 0 : i32
      %lt3A_828 = arith.cmpi slt, %select_n3A_821, %lt3A_827 : i32
      %ne3A_829 = arith.xori %lt3A_826, %lt3A_828 : i1
      %and3A_830 = arith.andi %ne3A_829, %ne3A_824 : i1
      %add3A_831 = arith.addi %rem3A_822, %select_n3A_821 : i32
      %select_n3A_832 = arith.select %and3A_830, %add3A_831, %rem3A_822 : i32
      %mul3A_833 = arith.constant 16 : i32
      %mul3A_834 = arith.muli %select_n3A_832, %mul3A_833 : i32
      %mul3A_835 = arith.constant 101 : i32
      %mul3A_836 = arith.muli %mul3A_835, %mul3A_834 : i32
      %add3A_837 = arith.addi %add3A_816, %mul3A_836 : i32
      %mul3A_838 = arith.constant 101 : i32
      %mul3A_839 = vector.broadcast %mul3A_838 : i32 to vector<16xi32>
      %mul3A_840 = arith.muli %mul3A_839, %iota3A : vector<16xi32>
      %add3A_841 = vector.broadcast %add3A_837 : i32 to vector<16xi32>
      %add3A_842 = arith.addi %add3A_841, %mul3A_840 : vector<16xi32>
      %gather3A_843 = tpu.vector_load_idx %arg5[%add3A_842] : memref<16384xf32, #tpu.memory_space<vmem>>[vector<16xi32>], vector<16xf32>,
      %mul3A_844 = arith.constant 8 : i32
      %mul3A_845 = arith.muli %scan3A_405, %mul3A_844 : i32
      %add3A_846 = arith.constant 0 : i32
      %add3A_847 = arith.addi %mul3A_845, %add3A_846 : i32
      %neg3A = arith.constant 0.000000e+00 : f32
      %neg3A_848 = vector.broadcast %neg3A : f32 to vector<16xf32>
      %neg3A_849 = arith.subf %neg3A_848, %gather3A : vector<16xf32>
      %exp3A = math.exp %neg3A_849 : vector<16xf32>
      %add3A_850 = arith.constant 1.000000e+00 : f32
      %add3A_851 = vector.broadcast %add3A_850 : f32 to vector<16xf32>
      %add3A_852 = arith.addf %add3A_851, %exp3A : vector<16xf32>
      %div3A_853 = arith.constant 1.000000e+00 : f32
      %div3A_854 = vector.broadcast %div3A_853 : f32 to vector<16xf32>
      %div3A_855 = arith.divf %div3A_854, %add3A_852 : vector<16xf32>
      %jit3A_856 = arith.constant 8 : i32
      %div3A_857 = arith.divsi %add3A_847, %jit3A_856 : i32
      %sign3A_858 = arith.constant 0 : i32
      %sign3A_859 = arith.cmpi sgt, %add3A_847, %sign3A_858 : i32
      %sign3A_860 = arith.extui %sign3A_859 : i1 to i32
      %sign3A_861 = arith.constant 0 : i32
      %sign3A_862 = arith.cmpi slt, %add3A_847, %sign3A_861 : i32
      %sign3A_863 = arith.extui %sign3A_862 : i1 to i32
      %sign3A_864 = arith.subi %sign3A_860, %sign3A_863 : i32
      %sign3A_865 = arith.constant 0 : i32
      %sign3A_866 = arith.cmpi sgt, %jit3A_856, %sign3A_865 : i32
      %sign3A_867 = arith.extui %sign3A_866 : i1 to i32
      %sign3A_868 = arith.constant 0 : i32
      %sign3A_869 = arith.cmpi slt, %jit3A_856, %sign3A_868 : i32
      %sign3A_870 = arith.extui %sign3A_869 : i1 to i32
      %sign3A_871 = arith.subi %sign3A_867, %sign3A_870 : i32
      %ne3A_872 = arith.cmpi ne, %sign3A_864, %sign3A_871 : i32
      %rem3A_873 = arith.remsi %add3A_847, %jit3A_856 : i32
      %ne3A_874 = arith.constant 0 : i32
      %ne3A_875 = arith.cmpi ne, %rem3A_873, %ne3A_874 : i32
      %and3A_876 = arith.andi %ne3A_872, %ne3A_875 : i1
      %sub3A_877 = arith.constant 1 : i32
      %sub3A_878 = arith.subi %div3A_857, %sub3A_877 : i32
      %select_n3A_879 = arith.select %and3A_876, %sub3A_878, %div3A_857 : i32
      %jit3A_880 = arith.constant 8 : i32
      %eq3A_881 = arith.constant 0 : i32
      %eq3A_882 = arith.cmpi eq, %jit3A_880, %eq3A_881 : i32
      %jit3A_883 = arith.constant 1 : i32
      %select_n3A_884 = arith.select %eq3A_882, %jit3A_883, %jit3A_880 : i32
      %rem3A_885 = arith.remsi %add3A_847, %select_n3A_884 : i32
      %ne3A_886 = arith.constant 0 : i32
      %ne3A_887 = arith.cmpi ne, %rem3A_885, %ne3A_886 : i32
      %lt3A_888 = arith.constant 0 : i32
      %lt3A_889 = arith.cmpi slt, %rem3A_885, %lt3A_888 : i32
      %lt3A_890 = arith.constant 0 : i32
      %lt3A_891 = arith.cmpi slt, %select_n3A_884, %lt3A_890 : i32
      %ne3A_892 = arith.xori %lt3A_889, %lt3A_891 : i1
      %and3A_893 = arith.andi %ne3A_892, %ne3A_887 : i1
      %add3A_894 = arith.addi %rem3A_885, %select_n3A_884 : i32
      %select_n3A_895 = arith.select %and3A_893, %add3A_894, %rem3A_885 : i32
      %mul3A_896 = arith.constant 16 : i32
      %mul3A_897 = arith.muli %select_n3A_895, %mul3A_896 : i32
      %swap3A = arith.index_cast %select_n3A_879 : i32 to index
      %swap3A_898 = arith.index_cast %mul3A_897 : i32 to index
      %swap3A_899 = tpu.vector_load %arg6[%swap3A, %swap3A_898] {strides = array<i32>} : memref<8x128xf32, #tpu.memory_space<vmem>>, vector<16xf32>,
      tpu.vector_store %arg6[%swap3A, %swap3A_898], %div3A_855 {strides = array<i32>} : memref<8x128xf32, #tpu.memory_space<vmem>>, vector<16xf32>,
      %mul3A_900 = arith.constant 8 : i32
      %mul3A_901 = arith.muli %scan3A_405, %mul3A_900 : i32
      %add3A_902 = arith.constant 1 : i32
      %add3A_903 = arith.addi %mul3A_901, %add3A_902 : i32
      %neg3A_904 = arith.constant 0.000000e+00 : f32
      %neg3A_905 = vector.broadcast %neg3A_904 : f32 to vector<16xf32>
      %neg3A_906 = arith.subf %neg3A_905, %gather3A_507 : vector<16xf32>
      %exp3A_907 = math.exp %neg3A_906 : vector<16xf32>
      %add3A_908 = arith.constant 1.000000e+00 : f32
      %add3A_909 = vector.broadcast %add3A_908 : f32 to vector<16xf32>
      %add3A_910 = arith.addf %add3A_909, %exp3A_907 : vector<16xf32>
      %div3A_911 = arith.constant 1.000000e+00 : f32
      %div3A_912 = vector.broadcast %div3A_911 : f32 to vector<16xf32>
      %div3A_913 = arith.divf %div3A_912, %add3A_910 : vector<16xf32>
      %jit3A_914 = arith.constant 8 : i32
      %div3A_915 = arith.divsi %add3A_903, %jit3A_914 : i32
      %sign3A_916 = arith.constant 0 : i32
      %sign3A_917 = arith.cmpi sgt, %add3A_903, %sign3A_916 : i32
      %sign3A_918 = arith.extui %sign3A_917 : i1 to i32
      %sign3A_919 = arith.constant 0 : i32
      %sign3A_920 = arith.cmpi slt, %add3A_903, %sign3A_919 : i32
      %sign3A_921 = arith.extui %sign3A_920 : i1 to i32
      %sign3A_922 = arith.subi %sign3A_918, %sign3A_921 : i32
      %sign3A_923 = arith.constant 0 : i32
      %sign3A_924 = arith.cmpi sgt, %jit3A_914, %sign3A_923 : i32
      %sign3A_925 = arith.extui %sign3A_924 : i1 to i32
      %sign3A_926 = arith.constant 0 : i32
      %sign3A_927 = arith.cmpi slt, %jit3A_914, %sign3A_926 : i32
      %sign3A_928 = arith.extui %sign3A_927 : i1 to i32
      %sign3A_929 = arith.subi %sign3A_925, %sign3A_928 : i32
      %ne3A_930 = arith.cmpi ne, %sign3A_922, %sign3A_929 : i32
      %rem3A_931 = arith.remsi %add3A_903, %jit3A_914 : i32
      %ne3A_932 = arith.constant 0 : i32
      %ne3A_933 = arith.cmpi ne, %rem3A_931, %ne3A_932 : i32
      %and3A_934 = arith.andi %ne3A_930, %ne3A_933 : i1
      %sub3A_935 = arith.constant 1 : i32
      %sub3A_936 = arith.subi %div3A_915, %sub3A_935 : i32
      %select_n3A_937 = arith.select %and3A_934, %sub3A_936, %div3A_915 : i32
      %jit3A_938 = arith.constant 8 : i32
      %eq3A_939 = arith.constant 0 : i32
      %eq3A_940 = arith.cmpi eq, %jit3A_938, %eq3A_939 : i32
      %jit3A_941 = arith.constant 1 : i32
      %select_n3A_942 = arith.select %eq3A_940, %jit3A_941, %jit3A_938 : i32
      %rem3A_943 = arith.remsi %add3A_903, %select_n3A_942 : i32
      %ne3A_944 = arith.constant 0 : i32
      %ne3A_945 = arith.cmpi ne, %rem3A_943, %ne3A_944 : i32
      %lt3A_946 = arith.constant 0 : i32
      %lt3A_947 = arith.cmpi slt, %rem3A_943, %lt3A_946 : i32
      %lt3A_948 = arith.constant 0 : i32
      %lt3A_949 = arith.cmpi slt, %select_n3A_942, %lt3A_948 : i32
      %ne3A_950 = arith.xori %lt3A_947, %lt3A_949 : i1
      %and3A_951 = arith.andi %ne3A_950, %ne3A_945 : i1
      %add3A_952 = arith.addi %rem3A_943, %select_n3A_942 : i32
      %select_n3A_953 = arith.select %and3A_951, %add3A_952, %rem3A_943 : i32
      %mul3A_954 = arith.constant 16 : i32
      %mul3A_955 = arith.muli %select_n3A_953, %mul3A_954 : i32
      %swap3A_956 = arith.index_cast %select_n3A_937 : i32 to index
      %swap3A_957 = arith.index_cast %mul3A_955 : i32 to index
      %swap3A_958 = tpu.vector_load %arg6[%swap3A_956, %swap3A_957] {strides = array<i32>} : memref<8x128xf32, #tpu.memory_space<vmem>>, vector<16xf32>,
      tpu.vector_store %arg6[%swap3A_956, %swap3A_957], %div3A_913 {strides = array<i32>} : memref<8x128xf32, #tpu.memory_space<vmem>>, vector<16xf32>,
      %mul3A_959 = arith.constant 8 : i32
      %mul3A_960 = arith.muli %scan3A_405, %mul3A_959 : i32
      %add3A_961 = arith.constant 2 : i32
      %add3A_962 = arith.addi %mul3A_960, %add3A_961 : i32
      %neg3A_963 = arith.constant 0.000000e+00 : f32
      %neg3A_964 = vector.broadcast %neg3A_963 : f32 to vector<16xf32>
      %neg3A_965 = arith.subf %neg3A_964, %gather3A_563 : vector<16xf32>
      %exp3A_966 = math.exp %neg3A_965 : vector<16xf32>
      %add3A_967 = arith.constant 1.000000e+00 : f32
      %add3A_968 = vector.broadcast %add3A_967 : f32 to vector<16xf32>
      %add3A_969 = arith.addf %add3A_968, %exp3A_966 : vector<16xf32>
      %div3A_970 = arith.constant 1.000000e+00 : f32
      %div3A_971 = vector.broadcast %div3A_970 : f32 to vector<16xf32>
      %div3A_972 = arith.divf %div3A_971, %add3A_969 : vector<16xf32>
      %jit3A_973 = arith.constant 8 : i32
      %div3A_974 = arith.divsi %add3A_962, %jit3A_973 : i32
      %sign3A_975 = arith.constant 0 : i32
      %sign3A_976 = arith.cmpi sgt, %add3A_962, %sign3A_975 : i32
      %sign3A_977 = arith.extui %sign3A_976 : i1 to i32
      %sign3A_978 = arith.constant 0 : i32
      %sign3A_979 = arith.cmpi slt, %add3A_962, %sign3A_978 : i32
      %sign3A_980 = arith.extui %sign3A_979 : i1 to i32
      %sign3A_981 = arith.subi %sign3A_977, %sign3A_980 : i32
      %sign3A_982 = arith.constant 0 : i32
      %sign3A_983 = arith.cmpi sgt, %jit3A_973, %sign3A_982 : i32
      %sign3A_984 = arith.extui %sign3A_983 : i1 to i32
      %sign3A_985 = arith.constant 0 : i32
      %sign3A_986 = arith.cmpi slt, %jit3A_973, %sign3A_985 : i32
      %sign3A_987 = arith.extui %sign3A_986 : i1 to i32
      %sign3A_988 = arith.subi %sign3A_984, %sign3A_987 : i32
      %ne3A_989 = arith.cmpi ne, %sign3A_981, %sign3A_988 : i32
      %rem3A_990 = arith.remsi %add3A_962, %jit3A_973 : i32
      %ne3A_991 = arith.constant 0 : i32
      %ne3A_992 = arith.cmpi ne, %rem3A_990, %ne3A_991 : i32
      %and3A_993 = arith.andi %ne3A_989, %ne3A_992 : i1
      %sub3A_994 = arith.constant 1 : i32
      %sub3A_995 = arith.subi %div3A_974, %sub3A_994 : i32
      %select_n3A_996 = arith.select %and3A_993, %sub3A_995, %div3A_974 : i32
      %jit3A_997 = arith.constant 8 : i32
      %eq3A_998 = arith.constant 0 : i32
      %eq3A_999 = arith.cmpi eq, %jit3A_997, %eq3A_998 : i32
      %jit3A_1000 = arith.constant 1 : i32
      %select_n3A_1001 = arith.select %eq3A_999, %jit3A_1000, %jit3A_997 : i32
      %rem3A_1002 = arith.remsi %add3A_962, %select_n3A_1001 : i32
      %ne3A_1003 = arith.constant 0 : i32
      %ne3A_1004 = arith.cmpi ne, %rem3A_1002, %ne3A_1003 : i32
      %lt3A_1005 = arith.constant 0 : i32
      %lt3A_1006 = arith.cmpi slt, %rem3A_1002, %lt3A_1005 : i32
      %lt3A_1007 = arith.constant 0 : i32
      %lt3A_1008 = arith.cmpi slt, %select_n3A_1001, %lt3A_1007 : i32
      %ne3A_1009 = arith.xori %lt3A_1006, %lt3A_1008 : i1
      %and3A_1010 = arith.andi %ne3A_1009, %ne3A_1004 : i1
      %add3A_1011 = arith.addi %rem3A_1002, %select_n3A_1001 : i32
      %select_n3A_1012 = arith.select %and3A_1010, %add3A_1011, %rem3A_1002 : i32
      %mul3A_1013 = arith.constant 16 : i32
      %mul3A_1014 = arith.muli %select_n3A_1012, %mul3A_1013 : i32
      %swap3A_1015 = arith.index_cast %select_n3A_996 : i32 to index
      %swap3A_1016 = arith.index_cast %mul3A_1014 : i32 to index
      %swap3A_1017 = tpu.vector_load %arg6[%swap3A_1015, %swap3A_1016] {strides = array<i32>} : memref<8x128xf32, #tpu.memory_space<vmem>>, vector<16xf32>,
      tpu.vector_store %arg6[%swap3A_1015, %swap3A_1016], %div3A_972 {strides = array<i32>} : memref<8x128xf32, #tpu.memory_space<vmem>>, vector<16xf32>,
      %mul3A_1018 = arith.constant 8 : i32
      %mul3A_1019 = arith.muli %scan3A_405, %mul3A_1018 : i32
      %add3A_1020 = arith.constant 3 : i32
      %add3A_1021 = arith.addi %mul3A_1019, %add3A_1020 : i32
      %neg3A_1022 = arith.constant 0.000000e+00 : f32
      %neg3A_1023 = vector.broadcast %neg3A_1022 : f32 to vector<16xf32>
      %neg3A_1024 = arith.subf %neg3A_1023, %gather3A_619 : vector<16xf32>
      %exp3A_1025 = math.exp %neg3A_1024 : vector<16xf32>
      %add3A_1026 = arith.constant 1.000000e+00 : f32
      %add3A_1027 = vector.broadcast %add3A_1026 : f32 to vector<16xf32>
      %add3A_1028 = arith.addf %add3A_1027, %exp3A_1025 : vector<16xf32>
      %div3A_1029 = arith.constant 1.000000e+00 : f32
      %div3A_1030 = vector.broadcast %div3A_1029 : f32 to vector<16xf32>
      %div3A_1031 = arith.divf %div3A_1030, %add3A_1028 : vector<16xf32>
      %jit3A_1032 = arith.constant 8 : i32
      %div3A_1033 = arith.divsi %add3A_1021, %jit3A_1032 : i32
      %sign3A_1034 = arith.constant 0 : i32
      %sign3A_1035 = arith.cmpi sgt, %add3A_1021, %sign3A_1034 : i32
      %sign3A_1036 = arith.extui %sign3A_1035 : i1 to i32
      %sign3A_1037 = arith.constant 0 : i32
      %sign3A_1038 = arith.cmpi slt, %add3A_1021, %sign3A_1037 : i32
      %sign3A_1039 = arith.extui %sign3A_1038 : i1 to i32
      %sign3A_1040 = arith.subi %sign3A_1036, %sign3A_1039 : i32
      %sign3A_1041 = arith.constant 0 : i32
      %sign3A_1042 = arith.cmpi sgt, %jit3A_1032, %sign3A_1041 : i32
      %sign3A_1043 = arith.extui %sign3A_1042 : i1 to i32
      %sign3A_1044 = arith.constant 0 : i32
      %sign3A_1045 = arith.cmpi slt, %jit3A_1032, %sign3A_1044 : i32
      %sign3A_1046 = arith.extui %sign3A_1045 : i1 to i32
      %sign3A_1047 = arith.subi %sign3A_1043, %sign3A_1046 : i32
      %ne3A_1048 = arith.cmpi ne, %sign3A_1040, %sign3A_1047 : i32
      %rem3A_1049 = arith.remsi %add3A_1021, %jit3A_1032 : i32
      %ne3A_1050 = arith.constant 0 : i32
      %ne3A_1051 = arith.cmpi ne, %rem3A_1049, %ne3A_1050 : i32
      %and3A_1052 = arith.andi %ne3A_1048, %ne3A_1051 : i1
      %sub3A_1053 = arith.constant 1 : i32
      %sub3A_1054 = arith.subi %div3A_1033, %sub3A_1053 : i32
      %select_n3A_1055 = arith.select %and3A_1052, %sub3A_1054, %div3A_1033 : i32
      %jit3A_1056 = arith.constant 8 : i32
      %eq3A_1057 = arith.constant 0 : i32
      %eq3A_1058 = arith.cmpi eq, %jit3A_1056, %eq3A_1057 : i32
      %jit3A_1059 = arith.constant 1 : i32
      %select_n3A_1060 = arith.select %eq3A_1058, %jit3A_1059, %jit3A_1056 : i32
      %rem3A_1061 = arith.remsi %add3A_1021, %select_n3A_1060 : i32
      %ne3A_1062 = arith.constant 0 : i32
      %ne3A_1063 = arith.cmpi ne, %rem3A_1061, %ne3A_1062 : i32
      %lt3A_1064 = arith.constant 0 : i32
      %lt3A_1065 = arith.cmpi slt, %rem3A_1061, %lt3A_1064 : i32
      %lt3A_1066 = arith.constant 0 : i32
      %lt3A_1067 = arith.cmpi slt, %select_n3A_1060, %lt3A_1066 : i32
      %ne3A_1068 = arith.xori %lt3A_1065, %lt3A_1067 : i1
      %and3A_1069 = arith.andi %ne3A_1068, %ne3A_1063 : i1
      %add3A_1070 = arith.addi %rem3A_1061, %select_n3A_1060 : i32
      %select_n3A_1071 = arith.select %and3A_1069, %add3A_1070, %rem3A_1061 : i32
      %mul3A_1072 = arith.constant 16 : i32
      %mul3A_1073 = arith.muli %select_n3A_1071, %mul3A_1072 : i32
      %swap3A_1074 = arith.index_cast %select_n3A_1055 : i32 to index
      %swap3A_1075 = arith.index_cast %mul3A_1073 : i32 to index
      %swap3A_1076 = tpu.vector_load %arg6[%swap3A_1074, %swap3A_1075] {strides = array<i32>} : memref<8x128xf32, #tpu.memory_space<vmem>>, vector<16xf32>,
      tpu.vector_store %arg6[%swap3A_1074, %swap3A_1075], %div3A_1031 {strides = array<i32>} : memref<8x128xf32, #tpu.memory_space<vmem>>, vector<16xf32>,
      %mul3A_1077 = arith.constant 8 : i32
      %mul3A_1078 = arith.muli %scan3A_405, %mul3A_1077 : i32
      %add3A_1079 = arith.constant 4 : i32
      %add3A_1080 = arith.addi %mul3A_1078, %add3A_1079 : i32
      %neg3A_1081 = arith.constant 0.000000e+00 : f32
      %neg3A_1082 = vector.broadcast %neg3A_1081 : f32 to vector<16xf32>
      %neg3A_1083 = arith.subf %neg3A_1082, %gather3A_675 : vector<16xf32>
      %exp3A_1084 = math.exp %neg3A_1083 : vector<16xf32>
      %add3A_1085 = arith.constant 1.000000e+00 : f32
      %add3A_1086 = vector.broadcast %add3A_1085 : f32 to vector<16xf32>
      %add3A_1087 = arith.addf %add3A_1086, %exp3A_1084 : vector<16xf32>
      %div3A_1088 = arith.constant 1.000000e+00 : f32
      %div3A_1089 = vector.broadcast %div3A_1088 : f32 to vector<16xf32>
      %div3A_1090 = arith.divf %div3A_1089, %add3A_1087 : vector<16xf32>
      %jit3A_1091 = arith.constant 8 : i32
      %div3A_1092 = arith.divsi %add3A_1080, %jit3A_1091 : i32
      %sign3A_1093 = arith.constant 0 : i32
      %sign3A_1094 = arith.cmpi sgt, %add3A_1080, %sign3A_1093 : i32
      %sign3A_1095 = arith.extui %sign3A_1094 : i1 to i32
      %sign3A_1096 = arith.constant 0 : i32
      %sign3A_1097 = arith.cmpi slt, %add3A_1080, %sign3A_1096 : i32
      %sign3A_1098 = arith.extui %sign3A_1097 : i1 to i32
      %sign3A_1099 = arith.subi %sign3A_1095, %sign3A_1098 : i32
      %sign3A_1100 = arith.constant 0 : i32
      %sign3A_1101 = arith.cmpi sgt, %jit3A_1091, %sign3A_1100 : i32
      %sign3A_1102 = arith.extui %sign3A_1101 : i1 to i32
      %sign3A_1103 = arith.constant 0 : i32
      %sign3A_1104 = arith.cmpi slt, %jit3A_1091, %sign3A_1103 : i32
      %sign3A_1105 = arith.extui %sign3A_1104 : i1 to i32
      %sign3A_1106 = arith.subi %sign3A_1102, %sign3A_1105 : i32
      %ne3A_1107 = arith.cmpi ne, %sign3A_1099, %sign3A_1106 : i32
      %rem3A_1108 = arith.remsi %add3A_1080, %jit3A_1091 : i32
      %ne3A_1109 = arith.constant 0 : i32
      %ne3A_1110 = arith.cmpi ne, %rem3A_1108, %ne3A_1109 : i32
      %and3A_1111 = arith.andi %ne3A_1107, %ne3A_1110 : i1
      %sub3A_1112 = arith.constant 1 : i32
      %sub3A_1113 = arith.subi %div3A_1092, %sub3A_1112 : i32
      %select_n3A_1114 = arith.select %and3A_1111, %sub3A_1113, %div3A_1092 : i32
      %jit3A_1115 = arith.constant 8 : i32
      %eq3A_1116 = arith.constant 0 : i32
      %eq3A_1117 = arith.cmpi eq, %jit3A_1115, %eq3A_1116 : i32
      %jit3A_1118 = arith.constant 1 : i32
      %select_n3A_1119 = arith.select %eq3A_1117, %jit3A_1118, %jit3A_1115 : i32
      %rem3A_1120 = arith.remsi %add3A_1080, %select_n3A_1119 : i32
      %ne3A_1121 = arith.constant 0 : i32
      %ne3A_1122 = arith.cmpi ne, %rem3A_1120, %ne3A_1121 : i32
      %lt3A_1123 = arith.constant 0 : i32
      %lt3A_1124 = arith.cmpi slt, %rem3A_1120, %lt3A_1123 : i32
      %lt3A_1125 = arith.constant 0 : i32
      %lt3A_1126 = arith.cmpi slt, %select_n3A_1119, %lt3A_1125 : i32
      %ne3A_1127 = arith.xori %lt3A_1124, %lt3A_1126 : i1
      %and3A_1128 = arith.andi %ne3A_1127, %ne3A_1122 : i1
      %add3A_1129 = arith.addi %rem3A_1120, %select_n3A_1119 : i32
      %select_n3A_1130 = arith.select %and3A_1128, %add3A_1129, %rem3A_1120 : i32
      %mul3A_1131 = arith.constant 16 : i32
      %mul3A_1132 = arith.muli %select_n3A_1130, %mul3A_1131 : i32
      %swap3A_1133 = arith.index_cast %select_n3A_1114 : i32 to index
      %swap3A_1134 = arith.index_cast %mul3A_1132 : i32 to index
      %swap3A_1135 = tpu.vector_load %arg6[%swap3A_1133, %swap3A_1134] {strides = array<i32>} : memref<8x128xf32, #tpu.memory_space<vmem>>, vector<16xf32>,
      tpu.vector_store %arg6[%swap3A_1133, %swap3A_1134], %div3A_1090 {strides = array<i32>} : memref<8x128xf32, #tpu.memory_space<vmem>>, vector<16xf32>,
      %mul3A_1136 = arith.constant 8 : i32
      %mul3A_1137 = arith.muli %scan3A_405, %mul3A_1136 : i32
      %add3A_1138 = arith.constant 5 : i32
      %add3A_1139 = arith.addi %mul3A_1137, %add3A_1138 : i32
      %neg3A_1140 = arith.constant 0.000000e+00 : f32
      %neg3A_1141 = vector.broadcast %neg3A_1140 : f32 to vector<16xf32>
      %neg3A_1142 = arith.subf %neg3A_1141, %gather3A_731 : vector<16xf32>
      %exp3A_1143 = math.exp %neg3A_1142 : vector<16xf32>
      %add3A_1144 = arith.constant 1.000000e+00 : f32
      %add3A_1145 = vector.broadcast %add3A_1144 : f32 to vector<16xf32>
      %add3A_1146 = arith.addf %add3A_1145, %exp3A_1143 : vector<16xf32>
      %div3A_1147 = arith.constant 1.000000e+00 : f32
      %div3A_1148 = vector.broadcast %div3A_1147 : f32 to vector<16xf32>
      %div3A_1149 = arith.divf %div3A_1148, %add3A_1146 : vector<16xf32>
      %jit3A_1150 = arith.constant 8 : i32
      %div3A_1151 = arith.divsi %add3A_1139, %jit3A_1150 : i32
      %sign3A_1152 = arith.constant 0 : i32
      %sign3A_1153 = arith.cmpi sgt, %add3A_1139, %sign3A_1152 : i32
      %sign3A_1154 = arith.extui %sign3A_1153 : i1 to i32
      %sign3A_1155 = arith.constant 0 : i32
      %sign3A_1156 = arith.cmpi slt, %add3A_1139, %sign3A_1155 : i32
      %sign3A_1157 = arith.extui %sign3A_1156 : i1 to i32
      %sign3A_1158 = arith.subi %sign3A_1154, %sign3A_1157 : i32
      %sign3A_1159 = arith.constant 0 : i32
      %sign3A_1160 = arith.cmpi sgt, %jit3A_1150, %sign3A_1159 : i32
      %sign3A_1161 = arith.extui %sign3A_1160 : i1 to i32
      %sign3A_1162 = arith.constant 0 : i32
      %sign3A_1163 = arith.cmpi slt, %jit3A_1150, %sign3A_1162 : i32
      %sign3A_1164 = arith.extui %sign3A_1163 : i1 to i32
      %sign3A_1165 = arith.subi %sign3A_1161, %sign3A_1164 : i32
      %ne3A_1166 = arith.cmpi ne, %sign3A_1158, %sign3A_1165 : i32
      %rem3A_1167 = arith.remsi %add3A_1139, %jit3A_1150 : i32
      %ne3A_1168 = arith.constant 0 : i32
      %ne3A_1169 = arith.cmpi ne, %rem3A_1167, %ne3A_1168 : i32
      %and3A_1170 = arith.andi %ne3A_1166, %ne3A_1169 : i1
      %sub3A_1171 = arith.constant 1 : i32
      %sub3A_1172 = arith.subi %div3A_1151, %sub3A_1171 : i32
      %select_n3A_1173 = arith.select %and3A_1170, %sub3A_1172, %div3A_1151 : i32
      %jit3A_1174 = arith.constant 8 : i32
      %eq3A_1175 = arith.constant 0 : i32
      %eq3A_1176 = arith.cmpi eq, %jit3A_1174, %eq3A_1175 : i32
      %jit3A_1177 = arith.constant 1 : i32
      %select_n3A_1178 = arith.select %eq3A_1176, %jit3A_1177, %jit3A_1174 : i32
      %rem3A_1179 = arith.remsi %add3A_1139, %select_n3A_1178 : i32
      %ne3A_1180 = arith.constant 0 : i32
      %ne3A_1181 = arith.cmpi ne, %rem3A_1179, %ne3A_1180 : i32
      %lt3A_1182 = arith.constant 0 : i32
      %lt3A_1183 = arith.cmpi slt, %rem3A_1179, %lt3A_1182 : i32
      %lt3A_1184 = arith.constant 0 : i32
      %lt3A_1185 = arith.cmpi slt, %select_n3A_1178, %lt3A_1184 : i32
      %ne3A_1186 = arith.xori %lt3A_1183, %lt3A_1185 : i1
      %and3A_1187 = arith.andi %ne3A_1186, %ne3A_1181 : i1
      %add3A_1188 = arith.addi %rem3A_1179, %select_n3A_1178 : i32
      %select_n3A_1189 = arith.select %and3A_1187, %add3A_1188, %rem3A_1179 : i32
      %mul3A_1190 = arith.constant 16 : i32
      %mul3A_1191 = arith.muli %select_n3A_1189, %mul3A_1190 : i32
      %swap3A_1192 = arith.index_cast %select_n3A_1173 : i32 to index
      %swap3A_1193 = arith.index_cast %mul3A_1191 : i32 to index
      %swap3A_1194 = tpu.vector_load %arg6[%swap3A_1192, %swap3A_1193] {strides = array<i32>} : memref<8x128xf32, #tpu.memory_space<vmem>>, vector<16xf32>,
      tpu.vector_store %arg6[%swap3A_1192, %swap3A_1193], %div3A_1149 {strides = array<i32>} : memref<8x128xf32, #tpu.memory_space<vmem>>, vector<16xf32>,
      %mul3A_1195 = arith.constant 8 : i32
      %mul3A_1196 = arith.muli %scan3A_405, %mul3A_1195 : i32
      %add3A_1197 = arith.constant 6 : i32
      %add3A_1198 = arith.addi %mul3A_1196, %add3A_1197 : i32
      %neg3A_1199 = arith.constant 0.000000e+00 : f32
      %neg3A_1200 = vector.broadcast %neg3A_1199 : f32 to vector<16xf32>
      %neg3A_1201 = arith.subf %neg3A_1200, %gather3A_787 : vector<16xf32>
      %exp3A_1202 = math.exp %neg3A_1201 : vector<16xf32>
      %add3A_1203 = arith.constant 1.000000e+00 : f32
      %add3A_1204 = vector.broadcast %add3A_1203 : f32 to vector<16xf32>
      %add3A_1205 = arith.addf %add3A_1204, %exp3A_1202 : vector<16xf32>
      %div3A_1206 = arith.constant 1.000000e+00 : f32
      %div3A_1207 = vector.broadcast %div3A_1206 : f32 to vector<16xf32>
      %div3A_1208 = arith.divf %div3A_1207, %add3A_1205 : vector<16xf32>
      %jit3A_1209 = arith.constant 8 : i32
      %div3A_1210 = arith.divsi %add3A_1198, %jit3A_1209 : i32
      %sign3A_1211 = arith.constant 0 : i32
      %sign3A_1212 = arith.cmpi sgt, %add3A_1198, %sign3A_1211 : i32
      %sign3A_1213 = arith.extui %sign3A_1212 : i1 to i32
      %sign3A_1214 = arith.constant 0 : i32
      %sign3A_1215 = arith.cmpi slt, %add3A_1198, %sign3A_1214 : i32
      %sign3A_1216 = arith.extui %sign3A_1215 : i1 to i32
      %sign3A_1217 = arith.subi %sign3A_1213, %sign3A_1216 : i32
      %sign3A_1218 = arith.constant 0 : i32
      %sign3A_1219 = arith.cmpi sgt, %jit3A_1209, %sign3A_1218 : i32
      %sign3A_1220 = arith.extui %sign3A_1219 : i1 to i32
      %sign3A_1221 = arith.constant 0 : i32
      %sign3A_1222 = arith.cmpi slt, %jit3A_1209, %sign3A_1221 : i32
      %sign3A_1223 = arith.extui %sign3A_1222 : i1 to i32
      %sign3A_1224 = arith.subi %sign3A_1220, %sign3A_1223 : i32
      %ne3A_1225 = arith.cmpi ne, %sign3A_1217, %sign3A_1224 : i32
      %rem3A_1226 = arith.remsi %add3A_1198, %jit3A_1209 : i32
      %ne3A_1227 = arith.constant 0 : i32
      %ne3A_1228 = arith.cmpi ne, %rem3A_1226, %ne3A_1227 : i32
      %and3A_1229 = arith.andi %ne3A_1225, %ne3A_1228 : i1
      %sub3A_1230 = arith.constant 1 : i32
      %sub3A_1231 = arith.subi %div3A_1210, %sub3A_1230 : i32
      %select_n3A_1232 = arith.select %and3A_1229, %sub3A_1231, %div3A_1210 : i32
      %jit3A_1233 = arith.constant 8 : i32
      %eq3A_1234 = arith.constant 0 : i32
      %eq3A_1235 = arith.cmpi eq, %jit3A_1233, %eq3A_1234 : i32
      %jit3A_1236 = arith.constant 1 : i32
      %select_n3A_1237 = arith.select %eq3A_1235, %jit3A_1236, %jit3A_1233 : i32
      %rem3A_1238 = arith.remsi %add3A_1198, %select_n3A_1237 : i32
      %ne3A_1239 = arith.constant 0 : i32
      %ne3A_1240 = arith.cmpi ne, %rem3A_1238, %ne3A_1239 : i32
      %lt3A_1241 = arith.constant 0 : i32
      %lt3A_1242 = arith.cmpi slt, %rem3A_1238, %lt3A_1241 : i32
      %lt3A_1243 = arith.constant 0 : i32
      %lt3A_1244 = arith.cmpi slt, %select_n3A_1237, %lt3A_1243 : i32
      %ne3A_1245 = arith.xori %lt3A_1242, %lt3A_1244 : i1
      %and3A_1246 = arith.andi %ne3A_1245, %ne3A_1240 : i1
      %add3A_1247 = arith.addi %rem3A_1238, %select_n3A_1237 : i32
      %select_n3A_1248 = arith.select %and3A_1246, %add3A_1247, %rem3A_1238 : i32
      %mul3A_1249 = arith.constant 16 : i32
      %mul3A_1250 = arith.muli %select_n3A_1248, %mul3A_1249 : i32
      %swap3A_1251 = arith.index_cast %select_n3A_1232 : i32 to index
      %swap3A_1252 = arith.index_cast %mul3A_1250 : i32 to index
      %swap3A_1253 = tpu.vector_load %arg6[%swap3A_1251, %swap3A_1252] {strides = array<i32>} : memref<8x128xf32, #tpu.memory_space<vmem>>, vector<16xf32>,
      tpu.vector_store %arg6[%swap3A_1251, %swap3A_1252], %div3A_1208 {strides = array<i32>} : memref<8x128xf32, #tpu.memory_space<vmem>>, vector<16xf32>,
      %mul3A_1254 = arith.constant 8 : i32
      %mul3A_1255 = arith.muli %scan3A_405, %mul3A_1254 : i32
      %add3A_1256 = arith.constant 7 : i32
      %add3A_1257 = arith.addi %mul3A_1255, %add3A_1256 : i32
      %neg3A_1258 = arith.constant 0.000000e+00 : f32
      %neg3A_1259 = vector.broadcast %neg3A_1258 : f32 to vector<16xf32>
      %neg3A_1260 = arith.subf %neg3A_1259, %gather3A_843 : vector<16xf32>
      %exp3A_1261 = math.exp %neg3A_1260 : vector<16xf32>
      %add3A_1262 = arith.constant 1.000000e+00 : f32
      %add3A_1263 = vector.broadcast %add3A_1262 : f32 to vector<16xf32>
      %add3A_1264 = arith.addf %add3A_1263, %exp3A_1261 : vector<16xf32>
      %div3A_1265 = arith.constant 1.000000e+00 : f32
      %div3A_1266 = vector.broadcast %div3A_1265 : f32 to vector<16xf32>
      %div3A_1267 = arith.divf %div3A_1266, %add3A_1264 : vector<16xf32>
      %jit3A_1268 = arith.constant 8 : i32
      %div3A_1269 = arith.divsi %add3A_1257, %jit3A_1268 : i32
      %sign3A_1270 = arith.constant 0 : i32
      %sign3A_1271 = arith.cmpi sgt, %add3A_1257, %sign3A_1270 : i32
      %sign3A_1272 = arith.extui %sign3A_1271 : i1 to i32
      %sign3A_1273 = arith.constant 0 : i32
      %sign3A_1274 = arith.cmpi slt, %add3A_1257, %sign3A_1273 : i32
      %sign3A_1275 = arith.extui %sign3A_1274 : i1 to i32
      %sign3A_1276 = arith.subi %sign3A_1272, %sign3A_1275 : i32
      %sign3A_1277 = arith.constant 0 : i32
      %sign3A_1278 = arith.cmpi sgt, %jit3A_1268, %sign3A_1277 : i32
      %sign3A_1279 = arith.extui %sign3A_1278 : i1 to i32
      %sign3A_1280 = arith.constant 0 : i32
      %sign3A_1281 = arith.cmpi slt, %jit3A_1268, %sign3A_1280 : i32
      %sign3A_1282 = arith.extui %sign3A_1281 : i1 to i32
      %sign3A_1283 = arith.subi %sign3A_1279, %sign3A_1282 : i32
      %ne3A_1284 = arith.cmpi ne, %sign3A_1276, %sign3A_1283 : i32
      %rem3A_1285 = arith.remsi %add3A_1257, %jit3A_1268 : i32
      %ne3A_1286 = arith.constant 0 : i32
      %ne3A_1287 = arith.cmpi ne, %rem3A_1285, %ne3A_1286 : i32
      %and3A_1288 = arith.andi %ne3A_1284, %ne3A_1287 : i1
      %sub3A_1289 = arith.constant 1 : i32
      %sub3A_1290 = arith.subi %div3A_1269, %sub3A_1289 : i32
      %select_n3A_1291 = arith.select %and3A_1288, %sub3A_1290, %div3A_1269 : i32
      %jit3A_1292 = arith.constant 8 : i32
      %eq3A_1293 = arith.constant 0 : i32
      %eq3A_1294 = arith.cmpi eq, %jit3A_1292, %eq3A_1293 : i32
      %jit3A_1295 = arith.constant 1 : i32
      %select_n3A_1296 = arith.select %eq3A_1294, %jit3A_1295, %jit3A_1292 : i32
      %rem3A_1297 = arith.remsi %add3A_1257, %select_n3A_1296 : i32
      %ne3A_1298 = arith.constant 0 : i32
      %ne3A_1299 = arith.cmpi ne, %rem3A_1297, %ne3A_1298 : i32
      %lt3A_1300 = arith.constant 0 : i32
      %lt3A_1301 = arith.cmpi slt, %rem3A_1297, %lt3A_1300 : i32
      %lt3A_1302 = arith.constant 0 : i32
      %lt3A_1303 = arith.cmpi slt, %select_n3A_1296, %lt3A_1302 : i32
      %ne3A_1304 = arith.xori %lt3A_1301, %lt3A_1303 : i1
      %and3A_1305 = arith.andi %ne3A_1304, %ne3A_1299 : i1
      %add3A_1306 = arith.addi %rem3A_1297, %select_n3A_1296 : i32
      %select_n3A_1307 = arith.select %and3A_1305, %add3A_1306, %rem3A_1297 : i32
      %mul3A_1308 = arith.constant 16 : i32
      %mul3A_1309 = arith.muli %select_n3A_1307, %mul3A_1308 : i32
      %swap3A_1310 = arith.index_cast %select_n3A_1291 : i32 to index
      %swap3A_1311 = arith.index_cast %mul3A_1309 : i32 to index
      %swap3A_1312 = tpu.vector_load %arg6[%swap3A_1310, %swap3A_1311] {strides = array<i32>} : memref<8x128xf32, #tpu.memory_space<vmem>>, vector<16xf32>,
      tpu.vector_store %arg6[%swap3A_1310, %swap3A_1311], %div3A_1267 {strides = array<i32>} : memref<8x128xf32, #tpu.memory_space<vmem>>, vector<16xf32>,
      %scan3A_1313 = arith.constant 0 : i32
      scf.yield %scan3A_1313 : i32
    }
    %scan3A_18 = arith.constant 8 : i32
    "tpu.region"() ({
      %run_scoped3A = tpu.sem_alloc : memref<!tpu.dma_semaphore, #tpu.memory_space<semaphore_mem>>
      %dma_start3A_405 = arith.constant 0 : i32
      %dma_start3A_406 = tpu.memref_slice %arg9[%mul3A_12, %dma_start3A_405] : memref<128x128xf32, #tpu.memory_space<vmem_shared>> -> memref<8x128xf32, #tpu.memory_space<vmem_shared>>
      %dma_start3A_407 = arith.constant 0 : i32
      %dma_start3A_408 = tpu.memref_slice %arg9[%mul3A_12, %dma_start3A_407] : memref<128x128xf32, #tpu.memory_space<vmem_shared>> -> memref<8x128xf32, #tpu.memory_space<vmem_shared>>
      tpu.enqueue_dma source(%arg6 : memref<8x128xf32, #tpu.memory_space<vmem>>) target(%dma_start3A_408 : memref<8x128xf32, #tpu.memory_space<vmem_shared>>) target_semaphore(%run_scoped3A : memref<!tpu.dma_semaphore, #tpu.memory_space<semaphore_mem>>)
      %dma_wait3A_409 = arith.constant 0 : i32
      %dma_wait3A_410 = tpu.memref_slice %arg9[%mul3A_12, %dma_wait3A_409] : memref<128x128xf32, #tpu.memory_space<vmem_shared>> -> memref<8x128xf32, #tpu.memory_space<vmem_shared>>
      %dma_wait3A_411 = arith.constant 0 : i32
      %dma_wait3A_412 = tpu.memref_slice %arg9[%mul3A_12, %dma_wait3A_411] : memref<128x128xf32, #tpu.memory_space<vmem_shared>> -> memref<8x128xf32, #tpu.memory_space<vmem_shared>>
      tpu.wait_dma2 semaphore(%run_scoped3A : memref<!tpu.dma_semaphore, #tpu.memory_space<semaphore_mem>>) src(%arg6 : memref<8x128xf32, #tpu.memory_space<vmem>>) dst(%dma_wait3A_412 : memref<8x128xf32, #tpu.memory_space<vmem_shared>>)
      tpu.yield
    }) : () -> ()
    %barrier3A = arith.constant 0 : index
    tpu.barrier barrier_id(%barrier3A)
    %dma_wait3A_19 = tpu.memref_slice %arg3[%mul3A_2] : memref<16384xi32, #tpu.memory_space<hbm>> -> memref<512xi32, #tpu.memory_space<hbm>>
    %dma_wait3A_20 = tpu.memref_slice %arg3[%mul3A_2] : memref<16384xi32, #tpu.memory_space<hbm>> -> memref<512xi32, #tpu.memory_space<hbm>>
    tpu.wait_dma2 semaphore(%arg12 : memref<!tpu.dma_semaphore, #tpu.memory_space<semaphore_mem>>) src(%dma_wait3A_20 : memref<512xi32, #tpu.memory_space<hbm>>) dst(%arg7 : memref<512xi32, #tpu.memory_space<vmem>>)
    %dma_start3A_21 = arith.constant 0 : i32
    %dma_start3A_22 = arith.constant 0 : i32
    %dma_start3A_23 = arith.constant 0 : i32
    %dma_start3A_24 = tpu.memref_slice %arg8[%dma_start3A_21, %dma_start3A_22, %dma_start3A_23] : memref<3x64x128xf32, #tpu.memory_space<vmem>> -> memref<1x64x128xf32, #tpu.memory_space<vmem>>
    %dma_start3A_25 = tpu.memref_squeeze %dma_start3A_24 : memref<1x64x128xf32, #tpu.memory_space<vmem>> -> memref<64x128xf32, #tpu.memory_space<vmem>>
    %dma_start3A_26 = arith.constant 0 : i32
    %dma_start3A_27 = tpu.memref_slice %arg7[%dma_start3A_26] : memref<512xi32, #tpu.memory_space<vmem>> -> memref<64xi32, #tpu.memory_space<vmem>>
    %dma_start3A_28 = arith.constant 0 : i32
    %dma_start3A_29 = arith.constant 0 : i32
    %dma_start3A_30 = tpu.memref_slice %arg9[%dma_start3A_28, %dma_start3A_29] : memref<128x128xf32, #tpu.memory_space<vmem_shared>> -> memref<128x128xf32, #tpu.memory_space<vmem_shared>>
    tpu.enqueue_indirect_dma source(%dma_start3A_30 : memref<128x128xf32, #tpu.memory_space<vmem_shared>>) target(%dma_start3A_25 : memref<64x128xf32, #tpu.memory_space<vmem>>) offsets(%dma_start3A_27 : memref<64xi32, #tpu.memory_space<vmem>>) semaphore(%arg10 : memref<!tpu.dma_semaphore, #tpu.memory_space<semaphore_mem>>)
    %dma_wait3A_31 = arith.constant 0 : i32
    %dma_wait3A_32 = arith.constant 0 : i32
    %dma_wait3A_33 = arith.constant 0 : i32
    %dma_wait3A_34 = tpu.memref_slice %arg8[%dma_wait3A_31, %dma_wait3A_32, %dma_wait3A_33] : memref<3x64x128xf32, #tpu.memory_space<vmem>> -> memref<1x64x128xf32, #tpu.memory_space<vmem>>
    %dma_wait3A_35 = tpu.memref_squeeze %dma_wait3A_34 : memref<1x64x128xf32, #tpu.memory_space<vmem>> -> memref<64x128xf32, #tpu.memory_space<vmem>>
    %dma_wait3A_36 = arith.constant 0 : i32
    %dma_wait3A_37 = tpu.memref_slice %arg7[%dma_wait3A_36] : memref<512xi32, #tpu.memory_space<vmem>> -> memref<64xi32, #tpu.memory_space<vmem>>
    %dma_wait3A_38 = arith.constant 0 : i32
    %dma_wait3A_39 = arith.constant 0 : i32
    %dma_wait3A_40 = tpu.memref_slice %arg9[%dma_wait3A_38, %dma_wait3A_39] : memref<128x128xf32, #tpu.memory_space<vmem_shared>> -> memref<128x128xf32, #tpu.memory_space<vmem_shared>>
    tpu.wait_indirect_dma semaphore(%arg10 : memref<!tpu.dma_semaphore, #tpu.memory_space<semaphore_mem>>) src(%dma_wait3A_40 : memref<128x128xf32, #tpu.memory_space<vmem_shared>>) dst(%dma_wait3A_35 : memref<64x128xf32, #tpu.memory_space<vmem>>)
    %dma_start3A_41 = arith.constant 1 : i32
    %dma_start3A_42 = arith.constant 0 : i32
    %dma_start3A_43 = arith.constant 0 : i32
    %dma_start3A_44 = tpu.memref_slice %arg8[%dma_start3A_41, %dma_start3A_42, %dma_start3A_43] : memref<3x64x128xf32, #tpu.memory_space<vmem>> -> memref<1x64x128xf32, #tpu.memory_space<vmem>>
    %dma_start3A_45 = tpu.memref_squeeze %dma_start3A_44 : memref<1x64x128xf32, #tpu.memory_space<vmem>> -> memref<64x128xf32, #tpu.memory_space<vmem>>
    %dma_start3A_46 = arith.constant 64 : i32
    %dma_start3A_47 = tpu.memref_slice %arg7[%dma_start3A_46] : memref<512xi32, #tpu.memory_space<vmem>> -> memref<64xi32, #tpu.memory_space<vmem>>
    %dma_start3A_48 = arith.constant 0 : i32
    %dma_start3A_49 = arith.constant 0 : i32
    %dma_start3A_50 = tpu.memref_slice %arg9[%dma_start3A_48, %dma_start3A_49] : memref<128x128xf32, #tpu.memory_space<vmem_shared>> -> memref<128x128xf32, #tpu.memory_space<vmem_shared>>
    tpu.enqueue_indirect_dma source(%dma_start3A_50 : memref<128x128xf32, #tpu.memory_space<vmem_shared>>) target(%dma_start3A_45 : memref<64x128xf32, #tpu.memory_space<vmem>>) offsets(%dma_start3A_47 : memref<64xi32, #tpu.memory_space<vmem>>) semaphore(%arg10 : memref<!tpu.dma_semaphore, #tpu.memory_space<semaphore_mem>>)
    %add3A_51 = arith.constant 0 : i32
    %add3A_52 = arith.addi %mul3A_2, %add3A_51 : i32
    %dma_start3A_53 = arith.constant 0 : i32
    %dma_start3A_54 = arith.constant 0 : i32
    %dma_start3A_55 = arith.constant 0 : i32
    %dma_start3A_56 = tpu.memref_slice %arg8[%dma_start3A_53, %dma_start3A_54, %dma_start3A_55] : memref<3x64x128xf32, #tpu.memory_space<vmem>> -> memref<1x64x128xf32, #tpu.memory_space<vmem>>
    %dma_start3A_57 = tpu.memref_squeeze %dma_start3A_56 : memref<1x64x128xf32, #tpu.memory_space<vmem>> -> memref<64x128xf32, #tpu.memory_space<vmem>>
    %dma_start3A_58 = arith.constant 0 : i32
    %dma_start3A_59 = tpu.memref_slice %arg4[%add3A_52, %dma_start3A_58] : memref<16384x128xf32, #tpu.memory_space<hbm>> -> memref<64x128xf32, #tpu.memory_space<hbm>>
    %dma_start3A_60 = arith.constant 0 : i32
    %dma_start3A_61 = tpu.memref_slice %arg4[%add3A_52, %dma_start3A_60] : memref<16384x128xf32, #tpu.memory_space<hbm>> -> memref<64x128xf32, #tpu.memory_space<hbm>>
    %dma_start3A_62 = arith.constant 0 : i32
    %dma_start3A_63 = arith.constant 0 : i32
    %dma_start3A_64 = tpu.memref_slice %arg8[%dma_start3A_53, %dma_start3A_62, %dma_start3A_63] : memref<3x64x128xf32, #tpu.memory_space<vmem>> -> memref<1x64x128xf32, #tpu.memory_space<vmem>>
    %dma_start3A_65 = tpu.memref_squeeze %dma_start3A_64 : memref<1x64x128xf32, #tpu.memory_space<vmem>> -> memref<64x128xf32, #tpu.memory_space<vmem>>
    tpu.enqueue_dma source(%dma_start3A_65 : memref<64x128xf32, #tpu.memory_space<vmem>>) target(%dma_start3A_61 : memref<64x128xf32, #tpu.memory_space<hbm>>) target_semaphore(%arg11 : memref<!tpu.dma_semaphore, #tpu.memory_space<semaphore_mem>>)
    %dma_wait3A_66 = arith.constant 1 : i32
    %dma_wait3A_67 = arith.constant 0 : i32
    %dma_wait3A_68 = arith.constant 0 : i32
    %dma_wait3A_69 = tpu.memref_slice %arg8[%dma_wait3A_66, %dma_wait3A_67, %dma_wait3A_68] : memref<3x64x128xf32, #tpu.memory_space<vmem>> -> memref<1x64x128xf32, #tpu.memory_space<vmem>>
    %dma_wait3A_70 = tpu.memref_squeeze %dma_wait3A_69 : memref<1x64x128xf32, #tpu.memory_space<vmem>> -> memref<64x128xf32, #tpu.memory_space<vmem>>
    %dma_wait3A_71 = arith.constant 64 : i32
    %dma_wait3A_72 = tpu.memref_slice %arg7[%dma_wait3A_71] : memref<512xi32, #tpu.memory_space<vmem>> -> memref<64xi32, #tpu.memory_space<vmem>>
    %dma_wait3A_73 = arith.constant 0 : i32
    %dma_wait3A_74 = arith.constant 0 : i32
    %dma_wait3A_75 = tpu.memref_slice %arg9[%dma_wait3A_73, %dma_wait3A_74] : memref<128x128xf32, #tpu.memory_space<vmem_shared>> -> memref<128x128xf32, #tpu.memory_space<vmem_shared>>
    tpu.wait_indirect_dma semaphore(%arg10 : memref<!tpu.dma_semaphore, #tpu.memory_space<semaphore_mem>>) src(%dma_wait3A_75 : memref<128x128xf32, #tpu.memory_space<vmem_shared>>) dst(%dma_wait3A_70 : memref<64x128xf32, #tpu.memory_space<vmem>>)
    %dma_start3A_76 = arith.constant 2 : i32
    %dma_start3A_77 = arith.constant 0 : i32
    %dma_start3A_78 = arith.constant 0 : i32
    %dma_start3A_79 = tpu.memref_slice %arg8[%dma_start3A_76, %dma_start3A_77, %dma_start3A_78] : memref<3x64x128xf32, #tpu.memory_space<vmem>> -> memref<1x64x128xf32, #tpu.memory_space<vmem>>
    %dma_start3A_80 = tpu.memref_squeeze %dma_start3A_79 : memref<1x64x128xf32, #tpu.memory_space<vmem>> -> memref<64x128xf32, #tpu.memory_space<vmem>>
    %dma_start3A_81 = arith.constant 128 : i32
    %dma_start3A_82 = tpu.memref_slice %arg7[%dma_start3A_81] : memref<512xi32, #tpu.memory_space<vmem>> -> memref<64xi32, #tpu.memory_space<vmem>>
    %dma_start3A_83 = arith.constant 0 : i32
    %dma_start3A_84 = arith.constant 0 : i32
    %dma_start3A_85 = tpu.memref_slice %arg9[%dma_start3A_83, %dma_start3A_84] : memref<128x128xf32, #tpu.memory_space<vmem_shared>> -> memref<128x128xf32, #tpu.memory_space<vmem_shared>>
    tpu.enqueue_indirect_dma source(%dma_start3A_85 : memref<128x128xf32, #tpu.memory_space<vmem_shared>>) target(%dma_start3A_80 : memref<64x128xf32, #tpu.memory_space<vmem>>) offsets(%dma_start3A_82 : memref<64xi32, #tpu.memory_space<vmem>>) semaphore(%arg10 : memref<!tpu.dma_semaphore, #tpu.memory_space<semaphore_mem>>)
    %add3A_86 = arith.constant 64 : i32
    %add3A_87 = arith.addi %mul3A_2, %add3A_86 : i32
    %dma_start3A_88 = arith.constant 1 : i32
    %dma_start3A_89 = arith.constant 0 : i32
    %dma_start3A_90 = arith.constant 0 : i32
    %dma_start3A_91 = tpu.memref_slice %arg8[%dma_start3A_88, %dma_start3A_89, %dma_start3A_90] : memref<3x64x128xf32, #tpu.memory_space<vmem>> -> memref<1x64x128xf32, #tpu.memory_space<vmem>>
    %dma_start3A_92 = tpu.memref_squeeze %dma_start3A_91 : memref<1x64x128xf32, #tpu.memory_space<vmem>> -> memref<64x128xf32, #tpu.memory_space<vmem>>
    %dma_start3A_93 = arith.constant 0 : i32
    %dma_start3A_94 = tpu.memref_slice %arg4[%add3A_87, %dma_start3A_93] : memref<16384x128xf32, #tpu.memory_space<hbm>> -> memref<64x128xf32, #tpu.memory_space<hbm>>
    %dma_start3A_95 = arith.constant 0 : i32
    %dma_start3A_96 = tpu.memref_slice %arg4[%add3A_87, %dma_start3A_95] : memref<16384x128xf32, #tpu.memory_space<hbm>> -> memref<64x128xf32, #tpu.memory_space<hbm>>
    %dma_start3A_97 = arith.constant 0 : i32
    %dma_start3A_98 = arith.constant 0 : i32
    %dma_start3A_99 = tpu.memref_slice %arg8[%dma_start3A_88, %dma_start3A_97, %dma_start3A_98] : memref<3x64x128xf32, #tpu.memory_space<vmem>> -> memref<1x64x128xf32, #tpu.memory_space<vmem>>
    %dma_start3A_100 = tpu.memref_squeeze %dma_start3A_99 : memref<1x64x128xf32, #tpu.memory_space<vmem>> -> memref<64x128xf32, #tpu.memory_space<vmem>>
    tpu.enqueue_dma source(%dma_start3A_100 : memref<64x128xf32, #tpu.memory_space<vmem>>) target(%dma_start3A_96 : memref<64x128xf32, #tpu.memory_space<hbm>>) target_semaphore(%arg11 : memref<!tpu.dma_semaphore, #tpu.memory_space<semaphore_mem>>)
    %dma_wait3A_101 = arith.constant 2 : i32
    %dma_wait3A_102 = arith.constant 0 : i32
    %dma_wait3A_103 = arith.constant 0 : i32
    %dma_wait3A_104 = tpu.memref_slice %arg8[%dma_wait3A_101, %dma_wait3A_102, %dma_wait3A_103] : memref<3x64x128xf32, #tpu.memory_space<vmem>> -> memref<1x64x128xf32, #tpu.memory_space<vmem>>
    %dma_wait3A_105 = tpu.memref_squeeze %dma_wait3A_104 : memref<1x64x128xf32, #tpu.memory_space<vmem>> -> memref<64x128xf32, #tpu.memory_space<vmem>>
    %dma_wait3A_106 = arith.constant 128 : i32
    %dma_wait3A_107 = tpu.memref_slice %arg7[%dma_wait3A_106] : memref<512xi32, #tpu.memory_space<vmem>> -> memref<64xi32, #tpu.memory_space<vmem>>
    %dma_wait3A_108 = arith.constant 0 : i32
    %dma_wait3A_109 = arith.constant 0 : i32
    %dma_wait3A_110 = tpu.memref_slice %arg9[%dma_wait3A_108, %dma_wait3A_109] : memref<128x128xf32, #tpu.memory_space<vmem_shared>> -> memref<128x128xf32, #tpu.memory_space<vmem_shared>>
    tpu.wait_indirect_dma semaphore(%arg10 : memref<!tpu.dma_semaphore, #tpu.memory_space<semaphore_mem>>) src(%dma_wait3A_110 : memref<128x128xf32, #tpu.memory_space<vmem_shared>>) dst(%dma_wait3A_105 : memref<64x128xf32, #tpu.memory_space<vmem>>)
    %dma_wait3A_111 = arith.constant 0 : i32
    %dma_wait3A_112 = arith.constant 0 : i32
    %dma_wait3A_113 = arith.constant 0 : i32
    %dma_wait3A_114 = tpu.memref_slice %arg8[%dma_wait3A_111, %dma_wait3A_112, %dma_wait3A_113] : memref<3x64x128xf32, #tpu.memory_space<vmem>> -> memref<1x64x128xf32, #tpu.memory_space<vmem>>
    %dma_wait3A_115 = tpu.memref_squeeze %dma_wait3A_114 : memref<1x64x128xf32, #tpu.memory_space<vmem>> -> memref<64x128xf32, #tpu.memory_space<vmem>>
    %dma_wait3A_116 = arith.constant 0 : i32
    %dma_wait3A_117 = tpu.memref_slice %arg4[%add3A_52, %dma_wait3A_116] : memref<16384x128xf32, #tpu.memory_space<hbm>> -> memref<64x128xf32, #tpu.memory_space<hbm>>
    %dma_wait3A_118 = arith.constant 0 : i32
    %dma_wait3A_119 = tpu.memref_slice %arg4[%add3A_52, %dma_wait3A_118] : memref<16384x128xf32, #tpu.memory_space<hbm>> -> memref<64x128xf32, #tpu.memory_space<hbm>>
    %dma_wait3A_120 = arith.constant 0 : i32
    %dma_wait3A_121 = arith.constant 0 : i32
    %dma_wait3A_122 = tpu.memref_slice %arg8[%dma_wait3A_111, %dma_wait3A_120, %dma_wait3A_121] : memref<3x64x128xf32, #tpu.memory_space<vmem>> -> memref<1x64x128xf32, #tpu.memory_space<vmem>>
    %dma_wait3A_123 = tpu.memref_squeeze %dma_wait3A_122 : memref<1x64x128xf32, #tpu.memory_space<vmem>> -> memref<64x128xf32, #tpu.memory_space<vmem>>
    tpu.wait_dma2 semaphore(%arg11 : memref<!tpu.dma_semaphore, #tpu.memory_space<semaphore_mem>>) src(%dma_wait3A_123 : memref<64x128xf32, #tpu.memory_space<vmem>>) dst(%dma_wait3A_119 : memref<64x128xf32, #tpu.memory_space<hbm>>)
    %dma_start3A_124 = arith.constant 0 : i32
    %dma_start3A_125 = arith.constant 0 : i32
    %dma_start3A_126 = arith.constant 0 : i32
    %dma_start3A_127 = tpu.memref_slice %arg8[%dma_start3A_124, %dma_start3A_125, %dma_start3A_126] : memref<3x64x128xf32, #tpu.memory_space<vmem>> -> memref<1x64x128xf32, #tpu.memory_space<vmem>>
    %dma_start3A_128 = tpu.memref_squeeze %dma_start3A_127 : memref<1x64x128xf32, #tpu.memory_space<vmem>> -> memref<64x128xf32, #tpu.memory_space<vmem>>
    %dma_start3A_129 = arith.constant 192 : i32
    %dma_start3A_130 = tpu.memref_slice %arg7[%dma_start3A_129] : memref<512xi32, #tpu.memory_space<vmem>> -> memref<64xi32, #tpu.memory_space<vmem>>
    %dma_start3A_131 = arith.constant 0 : i32
    %dma_start3A_132 = arith.constant 0 : i32
    %dma_start3A_133 = tpu.memref_slice %arg9[%dma_start3A_131, %dma_start3A_132] : memref<128x128xf32, #tpu.memory_space<vmem_shared>> -> memref<128x128xf32, #tpu.memory_space<vmem_shared>>
    tpu.enqueue_indirect_dma source(%dma_start3A_133 : memref<128x128xf32, #tpu.memory_space<vmem_shared>>) target(%dma_start3A_128 : memref<64x128xf32, #tpu.memory_space<vmem>>) offsets(%dma_start3A_130 : memref<64xi32, #tpu.memory_space<vmem>>) semaphore(%arg10 : memref<!tpu.dma_semaphore, #tpu.memory_space<semaphore_mem>>)
    %add3A_134 = arith.constant 128 : i32
    %add3A_135 = arith.addi %mul3A_2, %add3A_134 : i32
    %dma_start3A_136 = arith.constant 2 : i32
    %dma_start3A_137 = arith.constant 0 : i32
    %dma_start3A_138 = arith.constant 0 : i32
    %dma_start3A_139 = tpu.memref_slice %arg8[%dma_start3A_136, %dma_start3A_137, %dma_start3A_138] : memref<3x64x128xf32, #tpu.memory_space<vmem>> -> memref<1x64x128xf32, #tpu.memory_space<vmem>>
    %dma_start3A_140 = tpu.memref_squeeze %dma_start3A_139 : memref<1x64x128xf32, #tpu.memory_space<vmem>> -> memref<64x128xf32, #tpu.memory_space<vmem>>
    %dma_start3A_141 = arith.constant 0 : i32
    %dma_start3A_142 = tpu.memref_slice %arg4[%add3A_135, %dma_start3A_141] : memref<16384x128xf32, #tpu.memory_space<hbm>> -> memref<64x128xf32, #tpu.memory_space<hbm>>
    %dma_start3A_143 = arith.constant 0 : i32
    %dma_start3A_144 = tpu.memref_slice %arg4[%add3A_135, %dma_start3A_143] : memref<16384x128xf32, #tpu.memory_space<hbm>> -> memref<64x128xf32, #tpu.memory_space<hbm>>
    %dma_start3A_145 = arith.constant 0 : i32
    %dma_start3A_146 = arith.constant 0 : i32
    %dma_start3A_147 = tpu.memref_slice %arg8[%dma_start3A_136, %dma_start3A_145, %dma_start3A_146] : memref<3x64x128xf32, #tpu.memory_space<vmem>> -> memref<1x64x128xf32, #tpu.memory_space<vmem>>
    %dma_start3A_148 = tpu.memref_squeeze %dma_start3A_147 : memref<1x64x128xf32, #tpu.memory_space<vmem>> -> memref<64x128xf32, #tpu.memory_space<vmem>>
    tpu.enqueue_dma source(%dma_start3A_148 : memref<64x128xf32, #tpu.memory_space<vmem>>) target(%dma_start3A_144 : memref<64x128xf32, #tpu.memory_space<hbm>>) target_semaphore(%arg11 : memref<!tpu.dma_semaphore, #tpu.memory_space<semaphore_mem>>)
    %dma_wait3A_149 = arith.constant 0 : i32
    %dma_wait3A_150 = arith.constant 0 : i32
    %dma_wait3A_151 = arith.constant 0 : i32
    %dma_wait3A_152 = tpu.memref_slice %arg8[%dma_wait3A_149, %dma_wait3A_150, %dma_wait3A_151] : memref<3x64x128xf32, #tpu.memory_space<vmem>> -> memref<1x64x128xf32, #tpu.memory_space<vmem>>
    %dma_wait3A_153 = tpu.memref_squeeze %dma_wait3A_152 : memref<1x64x128xf32, #tpu.memory_space<vmem>> -> memref<64x128xf32, #tpu.memory_space<vmem>>
    %dma_wait3A_154 = arith.constant 192 : i32
    %dma_wait3A_155 = tpu.memref_slice %arg7[%dma_wait3A_154] : memref<512xi32, #tpu.memory_space<vmem>> -> memref<64xi32, #tpu.memory_space<vmem>>
    %dma_wait3A_156 = arith.constant 0 : i32
    %dma_wait3A_157 = arith.constant 0 : i32
    %dma_wait3A_158 = tpu.memref_slice %arg9[%dma_wait3A_156, %dma_wait3A_157] : memref<128x128xf32, #tpu.memory_space<vmem_shared>> -> memref<128x128xf32, #tpu.memory_space<vmem_shared>>
    tpu.wait_indirect_dma semaphore(%arg10 : memref<!tpu.dma_semaphore, #tpu.memory_space<semaphore_mem>>) src(%dma_wait3A_158 : memref<128x128xf32, #tpu.memory_space<vmem_shared>>) dst(%dma_wait3A_153 : memref<64x128xf32, #tpu.memory_space<vmem>>)
    %dma_wait3A_159 = arith.constant 1 : i32
    %dma_wait3A_160 = arith.constant 0 : i32
    %dma_wait3A_161 = arith.constant 0 : i32
    %dma_wait3A_162 = tpu.memref_slice %arg8[%dma_wait3A_159, %dma_wait3A_160, %dma_wait3A_161] : memref<3x64x128xf32, #tpu.memory_space<vmem>> -> memref<1x64x128xf32, #tpu.memory_space<vmem>>
    %dma_wait3A_163 = tpu.memref_squeeze %dma_wait3A_162 : memref<1x64x128xf32, #tpu.memory_space<vmem>> -> memref<64x128xf32, #tpu.memory_space<vmem>>
    %dma_wait3A_164 = arith.constant 0 : i32
    %dma_wait3A_165 = tpu.memref_slice %arg4[%add3A_87, %dma_wait3A_164] : memref<16384x128xf32, #tpu.memory_space<hbm>> -> memref<64x128xf32, #tpu.memory_space<hbm>>
    %dma_wait3A_166 = arith.constant 0 : i32
    %dma_wait3A_167 = tpu.memref_slice %arg4[%add3A_87, %dma_wait3A_166] : memref<16384x128xf32, #tpu.memory_space<hbm>> -> memref<64x128xf32, #tpu.memory_space<hbm>>
    %dma_wait3A_168 = arith.constant 0 : i32
    %dma_wait3A_169 = arith.constant 0 : i32
    %dma_wait3A_170 = tpu.memref_slice %arg8[%dma_wait3A_159, %dma_wait3A_168, %dma_wait3A_169] : memref<3x64x128xf32, #tpu.memory_space<vmem>> -> memref<1x64x128xf32, #tpu.memory_space<vmem>>
    %dma_wait3A_171 = tpu.memref_squeeze %dma_wait3A_170 : memref<1x64x128xf32, #tpu.memory_space<vmem>> -> memref<64x128xf32, #tpu.memory_space<vmem>>
    tpu.wait_dma2 semaphore(%arg11 : memref<!tpu.dma_semaphore, #tpu.memory_space<semaphore_mem>>) src(%dma_wait3A_171 : memref<64x128xf32, #tpu.memory_space<vmem>>) dst(%dma_wait3A_167 : memref<64x128xf32, #tpu.memory_space<hbm>>)
    %dma_start3A_172 = arith.constant 1 : i32
    %dma_start3A_173 = arith.constant 0 : i32
    %dma_start3A_174 = arith.constant 0 : i32
    %dma_start3A_175 = tpu.memref_slice %arg8[%dma_start3A_172, %dma_start3A_173, %dma_start3A_174] : memref<3x64x128xf32, #tpu.memory_space<vmem>> -> memref<1x64x128xf32, #tpu.memory_space<vmem>>
    %dma_start3A_176 = tpu.memref_squeeze %dma_start3A_175 : memref<1x64x128xf32, #tpu.memory_space<vmem>> -> memref<64x128xf32, #tpu.memory_space<vmem>>
    %dma_start3A_177 = arith.constant 256 : i32
    %dma_start3A_178 = tpu.memref_slice %arg7[%dma_start3A_177] : memref<512xi32, #tpu.memory_space<vmem>> -> memref<64xi32, #tpu.memory_space<vmem>>
    %dma_start3A_179 = arith.constant 0 : i32
    %dma_start3A_180 = arith.constant 0 : i32
    %dma_start3A_181 = tpu.memref_slice %arg9[%dma_start3A_179, %dma_start3A_180] : memref<128x128xf32, #tpu.memory_space<vmem_shared>> -> memref<128x128xf32, #tpu.memory_space<vmem_shared>>
    tpu.enqueue_indirect_dma source(%dma_start3A_181 : memref<128x128xf32, #tpu.memory_space<vmem_shared>>) target(%dma_start3A_176 : memref<64x128xf32, #tpu.memory_space<vmem>>) offsets(%dma_start3A_178 : memref<64xi32, #tpu.memory_space<vmem>>) semaphore(%arg10 : memref<!tpu.dma_semaphore, #tpu.memory_space<semaphore_mem>>)
    %add3A_182 = arith.constant 192 : i32
    %add3A_183 = arith.addi %mul3A_2, %add3A_182 : i32
    %dma_start3A_184 = arith.constant 0 : i32
    %dma_start3A_185 = arith.constant 0 : i32
    %dma_start3A_186 = arith.constant 0 : i32
    %dma_start3A_187 = tpu.memref_slice %arg8[%dma_start3A_184, %dma_start3A_185, %dma_start3A_186] : memref<3x64x128xf32, #tpu.memory_space<vmem>> -> memref<1x64x128xf32, #tpu.memory_space<vmem>>
    %dma_start3A_188 = tpu.memref_squeeze %dma_start3A_187 : memref<1x64x128xf32, #tpu.memory_space<vmem>> -> memref<64x128xf32, #tpu.memory_space<vmem>>
    %dma_start3A_189 = arith.constant 0 : i32
    %dma_start3A_190 = tpu.memref_slice %arg4[%add3A_183, %dma_start3A_189] : memref<16384x128xf32, #tpu.memory_space<hbm>> -> memref<64x128xf32, #tpu.memory_space<hbm>>
    %dma_start3A_191 = arith.constant 0 : i32
    %dma_start3A_192 = tpu.memref_slice %arg4[%add3A_183, %dma_start3A_191] : memref<16384x128xf32, #tpu.memory_space<hbm>> -> memref<64x128xf32, #tpu.memory_space<hbm>>
    %dma_start3A_193 = arith.constant 0 : i32
    %dma_start3A_194 = arith.constant 0 : i32
    %dma_start3A_195 = tpu.memref_slice %arg8[%dma_start3A_184, %dma_start3A_193, %dma_start3A_194] : memref<3x64x128xf32, #tpu.memory_space<vmem>> -> memref<1x64x128xf32, #tpu.memory_space<vmem>>
    %dma_start3A_196 = tpu.memref_squeeze %dma_start3A_195 : memref<1x64x128xf32, #tpu.memory_space<vmem>> -> memref<64x128xf32, #tpu.memory_space<vmem>>
    tpu.enqueue_dma source(%dma_start3A_196 : memref<64x128xf32, #tpu.memory_space<vmem>>) target(%dma_start3A_192 : memref<64x128xf32, #tpu.memory_space<hbm>>) target_semaphore(%arg11 : memref<!tpu.dma_semaphore, #tpu.memory_space<semaphore_mem>>)
    %dma_wait3A_197 = arith.constant 1 : i32
    %dma_wait3A_198 = arith.constant 0 : i32
    %dma_wait3A_199 = arith.constant 0 : i32
    %dma_wait3A_200 = tpu.memref_slice %arg8[%dma_wait3A_197, %dma_wait3A_198, %dma_wait3A_199] : memref<3x64x128xf32, #tpu.memory_space<vmem>> -> memref<1x64x128xf32, #tpu.memory_space<vmem>>
    %dma_wait3A_201 = tpu.memref_squeeze %dma_wait3A_200 : memref<1x64x128xf32, #tpu.memory_space<vmem>> -> memref<64x128xf32, #tpu.memory_space<vmem>>
    %dma_wait3A_202 = arith.constant 256 : i32
    %dma_wait3A_203 = tpu.memref_slice %arg7[%dma_wait3A_202] : memref<512xi32, #tpu.memory_space<vmem>> -> memref<64xi32, #tpu.memory_space<vmem>>
    %dma_wait3A_204 = arith.constant 0 : i32
    %dma_wait3A_205 = arith.constant 0 : i32
    %dma_wait3A_206 = tpu.memref_slice %arg9[%dma_wait3A_204, %dma_wait3A_205] : memref<128x128xf32, #tpu.memory_space<vmem_shared>> -> memref<128x128xf32, #tpu.memory_space<vmem_shared>>
    tpu.wait_indirect_dma semaphore(%arg10 : memref<!tpu.dma_semaphore, #tpu.memory_space<semaphore_mem>>) src(%dma_wait3A_206 : memref<128x128xf32, #tpu.memory_space<vmem_shared>>) dst(%dma_wait3A_201 : memref<64x128xf32, #tpu.memory_space<vmem>>)
    %dma_wait3A_207 = arith.constant 2 : i32
    %dma_wait3A_208 = arith.constant 0 : i32
    %dma_wait3A_209 = arith.constant 0 : i32
    %dma_wait3A_210 = tpu.memref_slice %arg8[%dma_wait3A_207, %dma_wait3A_208, %dma_wait3A_209] : memref<3x64x128xf32, #tpu.memory_space<vmem>> -> memref<1x64x128xf32, #tpu.memory_space<vmem>>
    %dma_wait3A_211 = tpu.memref_squeeze %dma_wait3A_210 : memref<1x64x128xf32, #tpu.memory_space<vmem>> -> memref<64x128xf32, #tpu.memory_space<vmem>>
    %dma_wait3A_212 = arith.constant 0 : i32
    %dma_wait3A_213 = tpu.memref_slice %arg4[%add3A_135, %dma_wait3A_212] : memref<16384x128xf32, #tpu.memory_space<hbm>> -> memref<64x128xf32, #tpu.memory_space<hbm>>
    %dma_wait3A_214 = arith.constant 0 : i32
    %dma_wait3A_215 = tpu.memref_slice %arg4[%add3A_135, %dma_wait3A_214] : memref<16384x128xf32, #tpu.memory_space<hbm>> -> memref<64x128xf32, #tpu.memory_space<hbm>>
    %dma_wait3A_216 = arith.constant 0 : i32
    %dma_wait3A_217 = arith.constant 0 : i32
    %dma_wait3A_218 = tpu.memref_slice %arg8[%dma_wait3A_207, %dma_wait3A_216, %dma_wait3A_217] : memref<3x64x128xf32, #tpu.memory_space<vmem>> -> memref<1x64x128xf32, #tpu.memory_space<vmem>>
    %dma_wait3A_219 = tpu.memref_squeeze %dma_wait3A_218 : memref<1x64x128xf32, #tpu.memory_space<vmem>> -> memref<64x128xf32, #tpu.memory_space<vmem>>
    tpu.wait_dma2 semaphore(%arg11 : memref<!tpu.dma_semaphore, #tpu.memory_space<semaphore_mem>>) src(%dma_wait3A_219 : memref<64x128xf32, #tpu.memory_space<vmem>>) dst(%dma_wait3A_215 : memref<64x128xf32, #tpu.memory_space<hbm>>)
    %dma_start3A_220 = arith.constant 2 : i32
    %dma_start3A_221 = arith.constant 0 : i32
    %dma_start3A_222 = arith.constant 0 : i32
    %dma_start3A_223 = tpu.memref_slice %arg8[%dma_start3A_220, %dma_start3A_221, %dma_start3A_222] : memref<3x64x128xf32, #tpu.memory_space<vmem>> -> memref<1x64x128xf32, #tpu.memory_space<vmem>>
    %dma_start3A_224 = tpu.memref_squeeze %dma_start3A_223 : memref<1x64x128xf32, #tpu.memory_space<vmem>> -> memref<64x128xf32, #tpu.memory_space<vmem>>
    %dma_start3A_225 = arith.constant 320 : i32
    %dma_start3A_226 = tpu.memref_slice %arg7[%dma_start3A_225] : memref<512xi32, #tpu.memory_space<vmem>> -> memref<64xi32, #tpu.memory_space<vmem>>
    %dma_start3A_227 = arith.constant 0 : i32
    %dma_start3A_228 = arith.constant 0 : i32
    %dma_start3A_229 = tpu.memref_slice %arg9[%dma_start3A_227, %dma_start3A_228] : memref<128x128xf32, #tpu.memory_space<vmem_shared>> -> memref<128x128xf32, #tpu.memory_space<vmem_shared>>
    tpu.enqueue_indirect_dma source(%dma_start3A_229 : memref<128x128xf32, #tpu.memory_space<vmem_shared>>) target(%dma_start3A_224 : memref<64x128xf32, #tpu.memory_space<vmem>>) offsets(%dma_start3A_226 : memref<64xi32, #tpu.memory_space<vmem>>) semaphore(%arg10 : memref<!tpu.dma_semaphore, #tpu.memory_space<semaphore_mem>>)
    %add3A_230 = arith.constant 256 : i32
    %add3A_231 = arith.addi %mul3A_2, %add3A_230 : i32
    %dma_start3A_232 = arith.constant 1 : i32
    %dma_start3A_233 = arith.constant 0 : i32
    %dma_start3A_234 = arith.constant 0 : i32
    %dma_start3A_235 = tpu.memref_slice %arg8[%dma_start3A_232, %dma_start3A_233, %dma_start3A_234] : memref<3x64x128xf32, #tpu.memory_space<vmem>> -> memref<1x64x128xf32, #tpu.memory_space<vmem>>
    %dma_start3A_236 = tpu.memref_squeeze %dma_start3A_235 : memref<1x64x128xf32, #tpu.memory_space<vmem>> -> memref<64x128xf32, #tpu.memory_space<vmem>>
    %dma_start3A_237 = arith.constant 0 : i32
    %dma_start3A_238 = tpu.memref_slice %arg4[%add3A_231, %dma_start3A_237] : memref<16384x128xf32, #tpu.memory_space<hbm>> -> memref<64x128xf32, #tpu.memory_space<hbm>>
    %dma_start3A_239 = arith.constant 0 : i32
    %dma_start3A_240 = tpu.memref_slice %arg4[%add3A_231, %dma_start3A_239] : memref<16384x128xf32, #tpu.memory_space<hbm>> -> memref<64x128xf32, #tpu.memory_space<hbm>>
    %dma_start3A_241 = arith.constant 0 : i32
    %dma_start3A_242 = arith.constant 0 : i32
    %dma_start3A_243 = tpu.memref_slice %arg8[%dma_start3A_232, %dma_start3A_241, %dma_start3A_242] : memref<3x64x128xf32, #tpu.memory_space<vmem>> -> memref<1x64x128xf32, #tpu.memory_space<vmem>>
    %dma_start3A_244 = tpu.memref_squeeze %dma_start3A_243 : memref<1x64x128xf32, #tpu.memory_space<vmem>> -> memref<64x128xf32, #tpu.memory_space<vmem>>
    tpu.enqueue_dma source(%dma_start3A_244 : memref<64x128xf32, #tpu.memory_space<vmem>>) target(%dma_start3A_240 : memref<64x128xf32, #tpu.memory_space<hbm>>) target_semaphore(%arg11 : memref<!tpu.dma_semaphore, #tpu.memory_space<semaphore_mem>>)
    %dma_wait3A_245 = arith.constant 2 : i32
    %dma_wait3A_246 = arith.constant 0 : i32
    %dma_wait3A_247 = arith.constant 0 : i32
    %dma_wait3A_248 = tpu.memref_slice %arg8[%dma_wait3A_245, %dma_wait3A_246, %dma_wait3A_247] : memref<3x64x128xf32, #tpu.memory_space<vmem>> -> memref<1x64x128xf32, #tpu.memory_space<vmem>>
    %dma_wait3A_249 = tpu.memref_squeeze %dma_wait3A_248 : memref<1x64x128xf32, #tpu.memory_space<vmem>> -> memref<64x128xf32, #tpu.memory_space<vmem>>
    %dma_wait3A_250 = arith.constant 320 : i32
    %dma_wait3A_251 = tpu.memref_slice %arg7[%dma_wait3A_250] : memref<512xi32, #tpu.memory_space<vmem>> -> memref<64xi32, #tpu.memory_space<vmem>>
    %dma_wait3A_252 = arith.constant 0 : i32
    %dma_wait3A_253 = arith.constant 0 : i32
    %dma_wait3A_254 = tpu.memref_slice %arg9[%dma_wait3A_252, %dma_wait3A_253] : memref<128x128xf32, #tpu.memory_space<vmem_shared>> -> memref<128x128xf32, #tpu.memory_space<vmem_shared>>
    tpu.wait_indirect_dma semaphore(%arg10 : memref<!tpu.dma_semaphore, #tpu.memory_space<semaphore_mem>>) src(%dma_wait3A_254 : memref<128x128xf32, #tpu.memory_space<vmem_shared>>) dst(%dma_wait3A_249 : memref<64x128xf32, #tpu.memory_space<vmem>>)
    %dma_wait3A_255 = arith.constant 0 : i32
    %dma_wait3A_256 = arith.constant 0 : i32
    %dma_wait3A_257 = arith.constant 0 : i32
    %dma_wait3A_258 = tpu.memref_slice %arg8[%dma_wait3A_255, %dma_wait3A_256, %dma_wait3A_257] : memref<3x64x128xf32, #tpu.memory_space<vmem>> -> memref<1x64x128xf32, #tpu.memory_space<vmem>>
    %dma_wait3A_259 = tpu.memref_squeeze %dma_wait3A_258 : memref<1x64x128xf32, #tpu.memory_space<vmem>> -> memref<64x128xf32, #tpu.memory_space<vmem>>
    %dma_wait3A_260 = arith.constant 0 : i32
    %dma_wait3A_261 = tpu.memref_slice %arg4[%add3A_183, %dma_wait3A_260] : memref<16384x128xf32, #tpu.memory_space<hbm>> -> memref<64x128xf32, #tpu.memory_space<hbm>>
    %dma_wait3A_262 = arith.constant 0 : i32
    %dma_wait3A_263 = tpu.memref_slice %arg4[%add3A_183, %dma_wait3A_262] : memref<16384x128xf32, #tpu.memory_space<hbm>> -> memref<64x128xf32, #tpu.memory_space<hbm>>
    %dma_wait3A_264 = arith.constant 0 : i32
    %dma_wait3A_265 = arith.constant 0 : i32
    %dma_wait3A_266 = tpu.memref_slice %arg8[%dma_wait3A_255, %dma_wait3A_264, %dma_wait3A_265] : memref<3x64x128xf32, #tpu.memory_space<vmem>> -> memref<1x64x128xf32, #tpu.memory_space<vmem>>
    %dma_wait3A_267 = tpu.memref_squeeze %dma_wait3A_266 : memref<1x64x128xf32, #tpu.memory_space<vmem>> -> memref<64x128xf32, #tpu.memory_space<vmem>>
    tpu.wait_dma2 semaphore(%arg11 : memref<!tpu.dma_semaphore, #tpu.memory_space<semaphore_mem>>) src(%dma_wait3A_267 : memref<64x128xf32, #tpu.memory_space<vmem>>) dst(%dma_wait3A_263 : memref<64x128xf32, #tpu.memory_space<hbm>>)
    %dma_start3A_268 = arith.constant 0 : i32
    %dma_start3A_269 = arith.constant 0 : i32
    %dma_start3A_270 = arith.constant 0 : i32
    %dma_start3A_271 = tpu.memref_slice %arg8[%dma_start3A_268, %dma_start3A_269, %dma_start3A_270] : memref<3x64x128xf32, #tpu.memory_space<vmem>> -> memref<1x64x128xf32, #tpu.memory_space<vmem>>
    %dma_start3A_272 = tpu.memref_squeeze %dma_start3A_271 : memref<1x64x128xf32, #tpu.memory_space<vmem>> -> memref<64x128xf32, #tpu.memory_space<vmem>>
    %dma_start3A_273 = arith.constant 384 : i32
    %dma_start3A_274 = tpu.memref_slice %arg7[%dma_start3A_273] : memref<512xi32, #tpu.memory_space<vmem>> -> memref<64xi32, #tpu.memory_space<vmem>>
    %dma_start3A_275 = arith.constant 0 : i32
    %dma_start3A_276 = arith.constant 0 : i32
    %dma_start3A_277 = tpu.memref_slice %arg9[%dma_start3A_275, %dma_start3A_276] : memref<128x128xf32, #tpu.memory_space<vmem_shared>> -> memref<128x128xf32, #tpu.memory_space<vmem_shared>>
    tpu.enqueue_indirect_dma source(%dma_start3A_277 : memref<128x128xf32, #tpu.memory_space<vmem_shared>>) target(%dma_start3A_272 : memref<64x128xf32, #tpu.memory_space<vmem>>) offsets(%dma_start3A_274 : memref<64xi32, #tpu.memory_space<vmem>>) semaphore(%arg10 : memref<!tpu.dma_semaphore, #tpu.memory_space<semaphore_mem>>)
    %add3A_278 = arith.constant 320 : i32
    %add3A_279 = arith.addi %mul3A_2, %add3A_278 : i32
    %dma_start3A_280 = arith.constant 2 : i32
    %dma_start3A_281 = arith.constant 0 : i32
    %dma_start3A_282 = arith.constant 0 : i32
    %dma_start3A_283 = tpu.memref_slice %arg8[%dma_start3A_280, %dma_start3A_281, %dma_start3A_282] : memref<3x64x128xf32, #tpu.memory_space<vmem>> -> memref<1x64x128xf32, #tpu.memory_space<vmem>>
    %dma_start3A_284 = tpu.memref_squeeze %dma_start3A_283 : memref<1x64x128xf32, #tpu.memory_space<vmem>> -> memref<64x128xf32, #tpu.memory_space<vmem>>
    %dma_start3A_285 = arith.constant 0 : i32
    %dma_start3A_286 = tpu.memref_slice %arg4[%add3A_279, %dma_start3A_285] : memref<16384x128xf32, #tpu.memory_space<hbm>> -> memref<64x128xf32, #tpu.memory_space<hbm>>
    %dma_start3A_287 = arith.constant 0 : i32
    %dma_start3A_288 = tpu.memref_slice %arg4[%add3A_279, %dma_start3A_287] : memref<16384x128xf32, #tpu.memory_space<hbm>> -> memref<64x128xf32, #tpu.memory_space<hbm>>
    %dma_start3A_289 = arith.constant 0 : i32
    %dma_start3A_290 = arith.constant 0 : i32
    %dma_start3A_291 = tpu.memref_slice %arg8[%dma_start3A_280, %dma_start3A_289, %dma_start3A_290] : memref<3x64x128xf32, #tpu.memory_space<vmem>> -> memref<1x64x128xf32, #tpu.memory_space<vmem>>
    %dma_start3A_292 = tpu.memref_squeeze %dma_start3A_291 : memref<1x64x128xf32, #tpu.memory_space<vmem>> -> memref<64x128xf32, #tpu.memory_space<vmem>>
    tpu.enqueue_dma source(%dma_start3A_292 : memref<64x128xf32, #tpu.memory_space<vmem>>) target(%dma_start3A_288 : memref<64x128xf32, #tpu.memory_space<hbm>>) target_semaphore(%arg11 : memref<!tpu.dma_semaphore, #tpu.memory_space<semaphore_mem>>)
    %dma_wait3A_293 = arith.constant 0 : i32
    %dma_wait3A_294 = arith.constant 0 : i32
    %dma_wait3A_295 = arith.constant 0 : i32
    %dma_wait3A_296 = tpu.memref_slice %arg8[%dma_wait3A_293, %dma_wait3A_294, %dma_wait3A_295] : memref<3x64x128xf32, #tpu.memory_space<vmem>> -> memref<1x64x128xf32, #tpu.memory_space<vmem>>
    %dma_wait3A_297 = tpu.memref_squeeze %dma_wait3A_296 : memref<1x64x128xf32, #tpu.memory_space<vmem>> -> memref<64x128xf32, #tpu.memory_space<vmem>>
    %dma_wait3A_298 = arith.constant 384 : i32
    %dma_wait3A_299 = tpu.memref_slice %arg7[%dma_wait3A_298] : memref<512xi32, #tpu.memory_space<vmem>> -> memref<64xi32, #tpu.memory_space<vmem>>
    %dma_wait3A_300 = arith.constant 0 : i32
    %dma_wait3A_301 = arith.constant 0 : i32
    %dma_wait3A_302 = tpu.memref_slice %arg9[%dma_wait3A_300, %dma_wait3A_301] : memref<128x128xf32, #tpu.memory_space<vmem_shared>> -> memref<128x128xf32, #tpu.memory_space<vmem_shared>>
    tpu.wait_indirect_dma semaphore(%arg10 : memref<!tpu.dma_semaphore, #tpu.memory_space<semaphore_mem>>) src(%dma_wait3A_302 : memref<128x128xf32, #tpu.memory_space<vmem_shared>>) dst(%dma_wait3A_297 : memref<64x128xf32, #tpu.memory_space<vmem>>)
    %dma_wait3A_303 = arith.constant 1 : i32
    %dma_wait3A_304 = arith.constant 0 : i32
    %dma_wait3A_305 = arith.constant 0 : i32
    %dma_wait3A_306 = tpu.memref_slice %arg8[%dma_wait3A_303, %dma_wait3A_304, %dma_wait3A_305] : memref<3x64x128xf32, #tpu.memory_space<vmem>> -> memref<1x64x128xf32, #tpu.memory_space<vmem>>
    %dma_wait3A_307 = tpu.memref_squeeze %dma_wait3A_306 : memref<1x64x128xf32, #tpu.memory_space<vmem>> -> memref<64x128xf32, #tpu.memory_space<vmem>>
    %dma_wait3A_308 = arith.constant 0 : i32
    %dma_wait3A_309 = tpu.memref_slice %arg4[%add3A_231, %dma_wait3A_308] : memref<16384x128xf32, #tpu.memory_space<hbm>> -> memref<64x128xf32, #tpu.memory_space<hbm>>
    %dma_wait3A_310 = arith.constant 0 : i32
    %dma_wait3A_311 = tpu.memref_slice %arg4[%add3A_231, %dma_wait3A_310] : memref<16384x128xf32, #tpu.memory_space<hbm>> -> memref<64x128xf32, #tpu.memory_space<hbm>>
    %dma_wait3A_312 = arith.constant 0 : i32
    %dma_wait3A_313 = arith.constant 0 : i32
    %dma_wait3A_314 = tpu.memref_slice %arg8[%dma_wait3A_303, %dma_wait3A_312, %dma_wait3A_313] : memref<3x64x128xf32, #tpu.memory_space<vmem>> -> memref<1x64x128xf32, #tpu.memory_space<vmem>>
    %dma_wait3A_315 = tpu.memref_squeeze %dma_wait3A_314 : memref<1x64x128xf32, #tpu.memory_space<vmem>> -> memref<64x128xf32, #tpu.memory_space<vmem>>
    tpu.wait_dma2 semaphore(%arg11 : memref<!tpu.dma_semaphore, #tpu.memory_space<semaphore_mem>>) src(%dma_wait3A_315 : memref<64x128xf32, #tpu.memory_space<vmem>>) dst(%dma_wait3A_311 : memref<64x128xf32, #tpu.memory_space<hbm>>)
    %dma_start3A_316 = arith.constant 1 : i32
    %dma_start3A_317 = arith.constant 0 : i32
    %dma_start3A_318 = arith.constant 0 : i32
    %dma_start3A_319 = tpu.memref_slice %arg8[%dma_start3A_316, %dma_start3A_317, %dma_start3A_318] : memref<3x64x128xf32, #tpu.memory_space<vmem>> -> memref<1x64x128xf32, #tpu.memory_space<vmem>>
    %dma_start3A_320 = tpu.memref_squeeze %dma_start3A_319 : memref<1x64x128xf32, #tpu.memory_space<vmem>> -> memref<64x128xf32, #tpu.memory_space<vmem>>
    %dma_start3A_321 = arith.constant 448 : i32
    %dma_start3A_322 = tpu.memref_slice %arg7[%dma_start3A_321] : memref<512xi32, #tpu.memory_space<vmem>> -> memref<64xi32, #tpu.memory_space<vmem>>
    %dma_start3A_323 = arith.constant 0 : i32
    %dma_start3A_324 = arith.constant 0 : i32
    %dma_start3A_325 = tpu.memref_slice %arg9[%dma_start3A_323, %dma_start3A_324] : memref<128x128xf32, #tpu.memory_space<vmem_shared>> -> memref<128x128xf32, #tpu.memory_space<vmem_shared>>
    tpu.enqueue_indirect_dma source(%dma_start3A_325 : memref<128x128xf32, #tpu.memory_space<vmem_shared>>) target(%dma_start3A_320 : memref<64x128xf32, #tpu.memory_space<vmem>>) offsets(%dma_start3A_322 : memref<64xi32, #tpu.memory_space<vmem>>) semaphore(%arg10 : memref<!tpu.dma_semaphore, #tpu.memory_space<semaphore_mem>>)
    %add3A_326 = arith.constant 384 : i32
    %add3A_327 = arith.addi %mul3A_2, %add3A_326 : i32
    %dma_start3A_328 = arith.constant 0 : i32
    %dma_start3A_329 = arith.constant 0 : i32
    %dma_start3A_330 = arith.constant 0 : i32
    %dma_start3A_331 = tpu.memref_slice %arg8[%dma_start3A_328, %dma_start3A_329, %dma_start3A_330] : memref<3x64x128xf32, #tpu.memory_space<vmem>> -> memref<1x64x128xf32, #tpu.memory_space<vmem>>
    %dma_start3A_332 = tpu.memref_squeeze %dma_start3A_331 : memref<1x64x128xf32, #tpu.memory_space<vmem>> -> memref<64x128xf32, #tpu.memory_space<vmem>>
    %dma_start3A_333 = arith.constant 0 : i32
    %dma_start3A_334 = tpu.memref_slice %arg4[%add3A_327, %dma_start3A_333] : memref<16384x128xf32, #tpu.memory_space<hbm>> -> memref<64x128xf32, #tpu.memory_space<hbm>>
    %dma_start3A_335 = arith.constant 0 : i32
    %dma_start3A_336 = tpu.memref_slice %arg4[%add3A_327, %dma_start3A_335] : memref<16384x128xf32, #tpu.memory_space<hbm>> -> memref<64x128xf32, #tpu.memory_space<hbm>>
    %dma_start3A_337 = arith.constant 0 : i32
    %dma_start3A_338 = arith.constant 0 : i32
    %dma_start3A_339 = tpu.memref_slice %arg8[%dma_start3A_328, %dma_start3A_337, %dma_start3A_338] : memref<3x64x128xf32, #tpu.memory_space<vmem>> -> memref<1x64x128xf32, #tpu.memory_space<vmem>>
    %dma_start3A_340 = tpu.memref_squeeze %dma_start3A_339 : memref<1x64x128xf32, #tpu.memory_space<vmem>> -> memref<64x128xf32, #tpu.memory_space<vmem>>
    tpu.enqueue_dma source(%dma_start3A_340 : memref<64x128xf32, #tpu.memory_space<vmem>>) target(%dma_start3A_336 : memref<64x128xf32, #tpu.memory_space<hbm>>) target_semaphore(%arg11 : memref<!tpu.dma_semaphore, #tpu.memory_space<semaphore_mem>>)
    %dma_wait3A_341 = arith.constant 1 : i32
    %dma_wait3A_342 = arith.constant 0 : i32
    %dma_wait3A_343 = arith.constant 0 : i32
    %dma_wait3A_344 = tpu.memref_slice %arg8[%dma_wait3A_341, %dma_wait3A_342, %dma_wait3A_343] : memref<3x64x128xf32, #tpu.memory_space<vmem>> -> memref<1x64x128xf32, #tpu.memory_space<vmem>>
    %dma_wait3A_345 = tpu.memref_squeeze %dma_wait3A_344 : memref<1x64x128xf32, #tpu.memory_space<vmem>> -> memref<64x128xf32, #tpu.memory_space<vmem>>
    %dma_wait3A_346 = arith.constant 448 : i32
    %dma_wait3A_347 = tpu.memref_slice %arg7[%dma_wait3A_346] : memref<512xi32, #tpu.memory_space<vmem>> -> memref<64xi32, #tpu.memory_space<vmem>>
    %dma_wait3A_348 = arith.constant 0 : i32
    %dma_wait3A_349 = arith.constant 0 : i32
    %dma_wait3A_350 = tpu.memref_slice %arg9[%dma_wait3A_348, %dma_wait3A_349] : memref<128x128xf32, #tpu.memory_space<vmem_shared>> -> memref<128x128xf32, #tpu.memory_space<vmem_shared>>
    tpu.wait_indirect_dma semaphore(%arg10 : memref<!tpu.dma_semaphore, #tpu.memory_space<semaphore_mem>>) src(%dma_wait3A_350 : memref<128x128xf32, #tpu.memory_space<vmem_shared>>) dst(%dma_wait3A_345 : memref<64x128xf32, #tpu.memory_space<vmem>>)
    %add3A_351 = arith.constant 448 : i32
    %add3A_352 = arith.addi %mul3A_2, %add3A_351 : i32
    %dma_start3A_353 = arith.constant 1 : i32
    %dma_start3A_354 = arith.constant 0 : i32
    %dma_start3A_355 = arith.constant 0 : i32
    %dma_start3A_356 = tpu.memref_slice %arg8[%dma_start3A_353, %dma_start3A_354, %dma_start3A_355] : memref<3x64x128xf32, #tpu.memory_space<vmem>> -> memref<1x64x128xf32, #tpu.memory_space<vmem>>
    %dma_start3A_357 = tpu.memref_squeeze %dma_start3A_356 : memref<1x64x128xf32, #tpu.memory_space<vmem>> -> memref<64x128xf32, #tpu.memory_space<vmem>>
    %dma_start3A_358 = arith.constant 0 : i32
    %dma_start3A_359 = tpu.memref_slice %arg4[%add3A_352, %dma_start3A_358] : memref<16384x128xf32, #tpu.memory_space<hbm>> -> memref<64x128xf32, #tpu.memory_space<hbm>>
    %dma_start3A_360 = arith.constant 0 : i32
    %dma_start3A_361 = tpu.memref_slice %arg4[%add3A_352, %dma_start3A_360] : memref<16384x128xf32, #tpu.memory_space<hbm>> -> memref<64x128xf32, #tpu.memory_space<hbm>>
    %dma_start3A_362 = arith.constant 0 : i32
    %dma_start3A_363 = arith.constant 0 : i32
    %dma_start3A_364 = tpu.memref_slice %arg8[%dma_start3A_353, %dma_start3A_362, %dma_start3A_363] : memref<3x64x128xf32, #tpu.memory_space<vmem>> -> memref<1x64x128xf32, #tpu.memory_space<vmem>>
    %dma_start3A_365 = tpu.memref_squeeze %dma_start3A_364 : memref<1x64x128xf32, #tpu.memory_space<vmem>> -> memref<64x128xf32, #tpu.memory_space<vmem>>
    tpu.enqueue_dma source(%dma_start3A_365 : memref<64x128xf32, #tpu.memory_space<vmem>>) target(%dma_start3A_361 : memref<64x128xf32, #tpu.memory_space<hbm>>) target_semaphore(%arg11 : memref<!tpu.dma_semaphore, #tpu.memory_space<semaphore_mem>>)
    %dma_wait3A_366 = arith.constant 2 : i32
    %dma_wait3A_367 = arith.constant 0 : i32
    %dma_wait3A_368 = arith.constant 0 : i32
    %dma_wait3A_369 = tpu.memref_slice %arg8[%dma_wait3A_366, %dma_wait3A_367, %dma_wait3A_368] : memref<3x64x128xf32, #tpu.memory_space<vmem>> -> memref<1x64x128xf32, #tpu.memory_space<vmem>>
    %dma_wait3A_370 = tpu.memref_squeeze %dma_wait3A_369 : memref<1x64x128xf32, #tpu.memory_space<vmem>> -> memref<64x128xf32, #tpu.memory_space<vmem>>
    %dma_wait3A_371 = arith.constant 0 : i32
    %dma_wait3A_372 = tpu.memref_slice %arg4[%add3A_279, %dma_wait3A_371] : memref<16384x128xf32, #tpu.memory_space<hbm>> -> memref<64x128xf32, #tpu.memory_space<hbm>>
    %dma_wait3A_373 = arith.constant 0 : i32
    %dma_wait3A_374 = tpu.memref_slice %arg4[%add3A_279, %dma_wait3A_373] : memref<16384x128xf32, #tpu.memory_space<hbm>> -> memref<64x128xf32, #tpu.memory_space<hbm>>
    %dma_wait3A_375 = arith.constant 0 : i32
    %dma_wait3A_376 = arith.constant 0 : i32
    %dma_wait3A_377 = tpu.memref_slice %arg8[%dma_wait3A_366, %dma_wait3A_375, %dma_wait3A_376] : memref<3x64x128xf32, #tpu.memory_space<vmem>> -> memref<1x64x128xf32, #tpu.memory_space<vmem>>
    %dma_wait3A_378 = tpu.memref_squeeze %dma_wait3A_377 : memref<1x64x128xf32, #tpu.memory_space<vmem>> -> memref<64x128xf32, #tpu.memory_space<vmem>>
    tpu.wait_dma2 semaphore(%arg11 : memref<!tpu.dma_semaphore, #tpu.memory_space<semaphore_mem>>) src(%dma_wait3A_378 : memref<64x128xf32, #tpu.memory_space<vmem>>) dst(%dma_wait3A_374 : memref<64x128xf32, #tpu.memory_space<hbm>>)
    %dma_wait3A_379 = arith.constant 0 : i32
    %dma_wait3A_380 = arith.constant 0 : i32
    %dma_wait3A_381 = arith.constant 0 : i32
    %dma_wait3A_382 = tpu.memref_slice %arg8[%dma_wait3A_379, %dma_wait3A_380, %dma_wait3A_381] : memref<3x64x128xf32, #tpu.memory_space<vmem>> -> memref<1x64x128xf32, #tpu.memory_space<vmem>>
    %dma_wait3A_383 = tpu.memref_squeeze %dma_wait3A_382 : memref<1x64x128xf32, #tpu.memory_space<vmem>> -> memref<64x128xf32, #tpu.memory_space<vmem>>
    %dma_wait3A_384 = arith.constant 0 : i32
    %dma_wait3A_385 = tpu.memref_slice %arg4[%add3A_327, %dma_wait3A_384] : memref<16384x128xf32, #tpu.memory_space<hbm>> -> memref<64x128xf32, #tpu.memory_space<hbm>>
    %dma_wait3A_386 = arith.constant 0 : i32
    %dma_wait3A_387 = tpu.memref_slice %arg4[%add3A_327, %dma_wait3A_386] : memref<16384x128xf32, #tpu.memory_space<hbm>> -> memref<64x128xf32, #tpu.memory_space<hbm>>
    %dma_wait3A_388 = arith.constant 0 : i32
    %dma_wait3A_389 = arith.constant 0 : i32
    %dma_wait3A_390 = tpu.memref_slice %arg8[%dma_wait3A_379, %dma_wait3A_388, %dma_wait3A_389] : memref<3x64x128xf32, #tpu.memory_space<vmem>> -> memref<1x64x128xf32, #tpu.memory_space<vmem>>
    %dma_wait3A_391 = tpu.memref_squeeze %dma_wait3A_390 : memref<1x64x128xf32, #tpu.memory_space<vmem>> -> memref<64x128xf32, #tpu.memory_space<vmem>>
    tpu.wait_dma2 semaphore(%arg11 : memref<!tpu.dma_semaphore, #tpu.memory_space<semaphore_mem>>) src(%dma_wait3A_391 : memref<64x128xf32, #tpu.memory_space<vmem>>) dst(%dma_wait3A_387 : memref<64x128xf32, #tpu.memory_space<hbm>>)
    %dma_wait3A_392 = arith.constant 1 : i32
    %dma_wait3A_393 = arith.constant 0 : i32
    %dma_wait3A_394 = arith.constant 0 : i32
    %dma_wait3A_395 = tpu.memref_slice %arg8[%dma_wait3A_392, %dma_wait3A_393, %dma_wait3A_394] : memref<3x64x128xf32, #tpu.memory_space<vmem>> -> memref<1x64x128xf32, #tpu.memory_space<vmem>>
    %dma_wait3A_396 = tpu.memref_squeeze %dma_wait3A_395 : memref<1x64x128xf32, #tpu.memory_space<vmem>> -> memref<64x128xf32, #tpu.memory_space<vmem>>
    %dma_wait3A_397 = arith.constant 0 : i32
    %dma_wait3A_398 = tpu.memref_slice %arg4[%add3A_352, %dma_wait3A_397] : memref<16384x128xf32, #tpu.memory_space<hbm>> -> memref<64x128xf32, #tpu.memory_space<hbm>>
    %dma_wait3A_399 = arith.constant 0 : i32
    %dma_wait3A_400 = tpu.memref_slice %arg4[%add3A_352, %dma_wait3A_399] : memref<16384x128xf32, #tpu.memory_space<hbm>> -> memref<64x128xf32, #tpu.memory_space<hbm>>
    %dma_wait3A_401 = arith.constant 0 : i32
    %dma_wait3A_402 = arith.constant 0 : i32
    %dma_wait3A_403 = tpu.memref_slice %arg8[%dma_wait3A_392, %dma_wait3A_401, %dma_wait3A_402] : memref<3x64x128xf32, #tpu.memory_space<vmem>> -> memref<1x64x128xf32, #tpu.memory_space<vmem>>
    %dma_wait3A_404 = tpu.memref_squeeze %dma_wait3A_403 : memref<1x64x128xf32, #tpu.memory_space<vmem>> -> memref<64x128xf32, #tpu.memory_space<vmem>>
    tpu.wait_dma2 semaphore(%arg11 : memref<!tpu.dma_semaphore, #tpu.memory_space<semaphore_mem>>) src(%dma_wait3A_404 : memref<64x128xf32, #tpu.memory_space<vmem>>) dst(%dma_wait3A_400 : memref<64x128xf32, #tpu.memory_space<hbm>>)
    return
  }
}

</mosaic_0001>

<sc_bundles>
// kernel: kernel.3.cloned.1.call-start
scs
__scs_entry_jumppad:
0x0: {  	(pc) =	sbr.rel $0x88, $3  }
0x1: {  	(tag) =	ssettag $0x0;
	lr =	simm.s32 $0x1  }
0x2: {  	[smem:$0x3F9F] =	sst lr;
	_ =	strace $0xD0000000  }
0x3: {  	_ = 	snop  }
0x4: {  	_ = 	snop  }
0x5: {  	_ = 	snop  }
0x6: {  	_ = 	snop  }
0x7: {  	_ = 	snop  }
__scs_overlays_trampoline_lowered:
0x8: {  	[smem:$0x3FAE] =	sst s0  }
0x9: {  	[smem:$0x3FAF] =	sst s1  }
0xa: {  	[smem:$0x3FB0] =	sst s2  }
0xb: {  	[smem:$0x3FB1] =	sst s3  }
0xc: {  	[smem:$0x3FB2] =	sst s4  }
0xd: {  	[smem:$0x3FB3] =	sst s5  }
0xe: {  	[smem:$0x3FB4] =	sst s6  }
0xf: {  	[smem:$0x3FB5] =	sst s7  }
0x10: {  	[smem:$0x3FB6] =	sst s8  }
0x11: {  	[smem:$0x3FB7] =	sst s9;
	s0 =	simm.s32 @!p0 $0x0  }
0x12: {  	s1 =	sld [smem:$0x3F9D];
	s0 =	simm.s32 @p0 $0x1  }
0x13: {  	[smem:$0x3FB8] =	sst s0;
	s0 =	simm.s32 @!p1 $0x0  }
0x14: {  	s2 =	sld [smem:$0x3F9C];
	s0 =	simm.s32 @p1 $0x1  }
0x15: {  	[smem:$0x3FB9] =	sst s0;
	s0 =	simm.s32 @!p2 $0x0  }
0x16: {  	s3 =	sld [smem:$0x3FDB];
	s0 =	simm.s32 @p2 $0x1  }
0x17: {  	s4 =	simm.s32 $0x1BF5;
	[smem:$0x3FBB] =	sst s0  }
0x18: {  	s0 =	sld [smem:$0x3F9E];
	_ =	swait.ge [sflag:s4], $0x0  }
0x19: {  	s7 =	sld [smem:$0x3F9F]  }
0x1a: {  	s8 =	sadd.s32 $0xFFFFE003, lr  }
0x1b: {  	s9 =	sadd.s32 $0xFFFFFEF7, lr;
	s5 =	simm.s32 $0xFFFFFFFF;
	p2 =	slt.u32 s8, $0xFFFFF086  }
0x1c: {  	p1 =	slt.u32 s9, $0xF7A;
	s5 =	simm.s32 @!p2 $0x0  }
0x1d: {  	s5 =	simm.s32 @p1 $0x1;
	p0 =	seq.s32 s7, s2  }
0x1e: {  	s7 =	smul.u32 @!p0 $0xF7A, s2;
	p2 =	seq.s32 @!p0 s5, $0x0  }
0x1f: {  	s9 =	smul.u32 $0xF7A, s1;
	s8 =	simm.s32 @!p0 $0x1BF5;
	p2 =	por !p2, p0  }
0x20: {  	[sflag:s8] =	ssyncset.s32 @!p0 $0xFFFFF086;
	s6 =	sadd.s32 @!p0 s3, s7;
	s7 =	simm.s32 @!p0 $0x108  }
0x21: {  	s3 =	sadd.s32 s3, s9;
	s6 =	sadd.s32 @!p0 $0x88, s6;
	s7 =	simm.s32 @p2 $0x1082  }
0x22: {  	[simem:s7], [sflag:s8] =	dma.local @!p0 [hbm:s6], $0xF7A  }
0x23: {  	s9 =	sor.u32 $0xD0000000, s2;
	s6 =	simm.s32 $0x108;
	_ =	swait.ge @!p0 [sflag:s8], $0x0  }
0x24: {  	s3 =	sadd.s32 $0x88, s3;
	s6 =	simm.s32 @!p1 $0x1082;
	[sflag:s4] =	ssyncset.s32 $0xFFFFF086  }
0x25: {  	[simem:s6], [sflag:s4] =	dma.local [hbm:s3], $0xF7A  }
0x26: {  	[smem:$0x3F9F] =	sst s1;
	(tag) =	ssettag s2;
	_ =	strace s9  }
0x27: {  	s1 =	sld [smem:$0x3FAF]  }
0x28: {  	s2 =	sld [smem:$0x3FB0]  }
0x29: {  	s4 =	sld [smem:$0x3FB2]  }
0x2a: {  	p0 =	seq.s32 s5, $0x0;
	s5 =	sld [smem:$0x3FB3]  }
0x2b: {  	s6 =	sld [smem:$0x3FB4]  }
0x2c: {  	s7 =	sld [smem:$0x3FB5]  }
0x2d: {  	s3 =	simm.s32 $0x108;
	s8 =	sld [smem:$0x3FB6]  }
0x2e: {  	s3 =	simm.s32 @!p0 $0x1082;
	s9 =	sld [smem:$0x3FB7]  }
0x2f: {  	lr =	sadd.s32 s0, s3;
	s0 =	sld [smem:$0x3FAE]  }
0x30: {  	s3 =	sld [smem:$0x3FB1]  }
0x31: {  	[smem:$0x3FBA] =	sst s10  }
0x32: {  	s10 =	sld [smem:$0x3FB8];
	_ =	sdelay $0x3  }
0x33: {  	p0 =	seq.s32 s10, $0x1;
	s10 =	sld [smem:$0x3FBA];
	_ =	sdelay $0x3  }
0x34: {  	[smem:$0x3FBA] =	sst s10  }
0x35: {  	s10 =	sld [smem:$0x3FB9];
	_ =	sdelay $0x3  }
0x36: {  	p1 =	seq.s32 s10, $0x1;
	s10 =	sld [smem:$0x3FBA];
	_ =	sdelay $0x3  }
0x37: {  	[smem:$0x3FBA] =	sst s10  }
0x38: {  	s10 =	sld [smem:$0x3FBB]  }
0x39: {  	_ = 	snop;
	(pc) =	sbr.ind lr, $3  }
0x3a: {  	_ = 	snop  }
0x3b: {  	_ = 	snop  }
0x3c: {  	p2 =	seq.s32 s10, $0x1;
	s10 =	sld [smem:$0x3FBA]  }
0x3d: {  	_ =	shalt  }
0x3e: {  	_ =	shalt  }
0x3f: {  	_ =	shalt  }
0x40: {  	_ =	shalt  }
0x41: {  	_ =	shalt  }
0x42: {  	_ =	shalt  }
0x43: {  	_ =	shalt  }
0x44: {  	_ =	shalt  }
0x45: {  	_ =	shalt  }
0x46: {  	_ =	shalt  }
0x47: {  	_ =	shalt  }
0x48: {  	_ =	shalt  }
0x49: {  	_ =	shalt  }
0x4a: {  	_ =	shalt  }
0x4b: {  	_ =	shalt  }
0x4c: {  	_ =	shalt  }
0x4d: {  	_ =	shalt  }
0x4e: {  	_ =	shalt  }
0x4f: {  	_ =	shalt  }
0x50: {  	_ =	shalt  }
0x51: {  	_ =	shalt  }
0x52: {  	_ =	shalt  }
0x53: {  	_ =	shalt  }
0x54: {  	_ =	shalt  }
0x55: {  	_ =	shalt  }
0x56: {  	_ =	shalt  }
0x57: {  	_ =	shalt  }
0x58: {  	_ =	shalt  }
0x59: {  	_ =	shalt  }
0x5a: {  	_ =	shalt  }
0x5b: {  	_ =	shalt  }
0x5c: {  	_ =	shalt  }
0x5d: {  	_ =	shalt  }
0x5e: {  	_ =	shalt  }
0x5f: {  	_ =	shalt  }
0x60: {  	_ =	shalt  }
0x61: {  	_ =	shalt  }
0x62: {  	_ =	shalt  }
0x63: {  	_ =	shalt  }
0x64: {  	_ =	shalt  }
0x65: {  	_ =	shalt  }
0x66: {  	_ =	shalt  }
0x67: {  	_ =	shalt  }
0x68: {  	_ =	shalt  }
0x69: {  	_ =	shalt  }
0x6a: {  	_ =	shalt  }
0x6b: {  	_ =	shalt  }
0x6c: {  	_ =	shalt  }
0x6d: {  	_ =	shalt  }
0x6e: {  	_ =	shalt  }
0x6f: {  	_ =	shalt  }
0x70: {  	_ =	shalt  }
0x71: {  	_ =	shalt  }
0x72: {  	_ =	shalt  }
0x73: {  	_ =	shalt  }
0x74: {  	_ =	shalt  }
0x75: {  	_ =	shalt  }
0x76: {  	_ =	shalt  }
0x77: {  	_ =	shalt  }
0x78: {  	_ =	shalt  }
0x79: {  	_ =	shalt  }
0x7a: {  	_ =	shalt  }
0x7b: {  	_ =	shalt  }
0x7c: {  	_ =	shalt  }
0x7d: {  	_ =	shalt  }
0x7e: {  	_ =	shalt  }
0x7f: {  	_ =	shalt  }
0x80: {  	_ =	shalt  }
0x81: {  	_ =	shalt  }
0x82: {  	_ =	shalt  }
0x83: {  	_ =	shalt  }
0x84: {  	_ =	shalt  }
0x85: {  	_ =	shalt  }
0x86: {  	_ =	shalt  }
0x87: {  	_ =	shalt  }
.Lfunc_end0:
.L_simem_size_0:
called_computation_lowered:
.L_overlay_start_0:
0x88: {  	s2 =	sld [smem:$0x3FD9]  }
0x89: {  	s3 =	sld [smem:$0x3FFE];
	_ =	sdelay $0x1  }
0x8a: {  	s1 =	srdreg.scid  }
0x8b: {  	s0 =	sand.u32 $0x1, s1  }
0x8c: {  	s17 =	sshll.u32 s0, $0xA;
	s2 =	sadd.s32 s3, s2  }
0x8d: {  	s2 =	sadd.s32 s2, s17  }
0x8e: {  	[smem:$0x3FC6] =	sst s2  }
0x8f: {  	_ = 	snop  }
0x90: {  	s2 =	sld [smem:$0x3FC9]  }
0x91: {  	s18 =	sld [smem:$0x3FD0];
	(tm) =	ssettm $0x1  }
0x92: {  	s4 =	sld [smem:$0x3FFB];
	_ =	sdelay $0x3  }
0x93: {  	_ =	strace s4  }
0x94: {  	s4 =	sld [smem:$0x3FFC];
	_ =	sdelay $0x3  }
0x95: {  	_ =	strace s4  }
0x96: {  	s4 =	sld [smem:$0x3FFD];
	_ =	sdelay $0x3  }
0x97: {  	_ =	strace s4  }
0x98: {  	_ =	strace $0x8FFFFFFF  }
0x99: {  	s19 =	sld [smem:$0x3FDB];
	_ =	sdelay $0x1  }
0x9a: {  	s5 =	simm.s32 $_scs_section_size  }
0x9b: {  	s6 =	simm.s32 $_size__tile_overlayer_lowered;
	s7 =	simm.s32 $_tile_overlayer_lowered  }
0x9c: {  	s22 =	simm.s32 $0x1BFF;
	s21 =	sshll.u32 s7, $0x1;
	s4 =	sadd.s32 s5, s19  }
0x9d: {  	s8 =	simm.s32 $0x0;
	s20 =	sshll.u32 s6, $0x1;
	s6 =	sadd.s32 s21, s4  }
0x9e: {  	[timem:s8], [sflag:s22] =	dma.local [hbm:s6], s20  }
0x9f: {  	_ =	swait.ge [sflag:s22], s20  }
0xa0: {  	s5 =	ssub.s32 $0x0, s20;
	[sflag:s22] =	ssyncset.done $0x0  }
0xa1: {  	[sflag:s22] =	ssyncadd.s32 s5;
	_ =	sdelay $0x1  }
0xa2: {  	s23 =	simm.s32 $0x1B8B  }
0xa3: {  	_ =	swait.ge [sflag:s23], $0x1  }
0xa4: {  	[sflag:s23] =	ssyncset.done $0x0  }
0xa5: {  	s25 =	simm.s32 $0x1B8E;
	s24 =	sld [smem:$0x3FFE];
	[sflag:s23] =	ssyncadd.s32 $0xFFFFFFFF  }
0xa6: {  	s26 =	simm.s32 $execute0_lowered;
	[smem:$0x3FD2] =	sst s25  }
0xa7: {  	s6 =	sshll.u32 s26, $0x1;
	_ =	strace $0x80000046;
	[dreg:$0x1] =	wrdreg $0xFFFFFFFF  }
0xa8: {  	s28 =	simm.s32 $_size_execute0_lowered;
	s4 =	sadd.s32 s4, s6;
	[dreg:$0x0] =	wrdreg $0x0  }
0xa9: {  	s6 =	sshll.u32 s28, $0x1;
	[dreg:$0x2] =	wrdreg s4  }
0xaa: {  	[dreg:$0x3] =	wrdreg s6  }
0xab: {  	[dreg:$0x4] =	wrdreg $0xC0  }
0xac: {  	_ =	task [dreg:s8], $0x5FFFF  }
0xad: {  	[dreg:$0x1] =	wrdreg $0xFFFFFFFF  }
0xae: {  	[dreg:$0x0] =	wrdreg $0x60  }
0xaf: {  	[dreg:$0x2] =	wrdreg s24  }
0xb0: {  	[dreg:$0x3] =	wrdreg s2  }
0xb1: {  	[dreg:$0x4] =	wrdreg s18  }
0xb2: {  	[dreg:$0x5] =	wrdreg $0xA6000  }
0xb3: {  	[dreg:$0x6] =	wrdreg $0x9  }
0xb4: {  	_ =	task.clear_ibuf [dreg:s8], $0x7FFFF;
	_ =	strace $0x90000046  }
0xb5: {  	s29 =	simm.s32 $0x9;
	_ =	strace $0x80000048  }
0xb6: {  	_ =	swait.ge [sflag:s29], $0x1  }
0xb7: {  	[sflag:s29] =	ssyncadd.s32 $0xFFFFFFFF  }
0xb8: {  	_ =	strace $0x90000048  }
0xb9: {  	_ =	sfence  }
0xba: {  	s30 =	sld [smem:$0x0];
	_ =	sdelay $0x2  }
0xbb: {  	s31 =	sshll.u32 s1, $0xD;
	s1 =	sshrl.u32 s1, $0x2  }
0xbc: {  	s3 =	sand.u32 $0x4000, s31;
	s1 =	sadd.s32 s1, s30  }
0xbd: {  	s0 =	sor.u32 s3, s0;
	s1 =	sshll.u32 s1, $0x11  }
0xbe: {  	s0 =	sor.u32 s1, s0  }
0xbf: {  	s0 =	sadd.s32 $0x8F2B, s0  }
0xc0: {  	[sflag:s0] =	ssyncadd.remote.s32 $0x1  }
0xc1: {  	_ =	sfence.sel $0xFFFF  }
0xc2: {  	[dreg:$0x0] =	wrdreg $0xFFFFFFFF;
	(pc) =	sbr.abs _section_cstart, $3  }
0xc3: {  	[dreg:$0x1] =	wrdreg $0xFFFFFFFF  }
0xc4: {  	_ =	task.clear_ibuf [dreg:s8], $0x2FFFF;
	_ =	strace $0x9FFFFFFF  }
0xc5: {  	(tm) =	ssettm $0x7FFFFFFF  }
tec
execute0_lowered:
.L_overlay_start_1:
0x0: {  	(tag) =	ssettag $0x1  }
0x1: {  	s0 =	rddreg [dreg:$0x0]  }
0x2: {  	s2 =	rddreg [dreg:$0x1]  }
0x3: {  	s7 =	rddreg [dreg:$0x2]  }
0x4: {  	s1 =	rddreg [dreg:$0x3]  }
0x5: {  	s3 =	simm.s32 $0x0;
	s4 =	srdreg.scid;
	s10 =	stileid.u32  }
0x6: {  	s17 =	simm.s32 $0x4400;
	s18 =	simm.s32 $0x3;
	s20 =	simm.s32 $0x4  }
0x7: {  	s21 =	simm.s32 $0x40;
	s22 =	simm.s32 $0x4600;
	s23 =	simm.s32 $0x1  }
0x8: {  	s25 =	simm.s32 $0x6600;
	s28 =	simm.s32 $0x8600;
	s29 =	simm.s32 $0x2  }
0x9: {  	s24 =	simm.s32 $0x0;
	[smem:$0x7FF] =	sst s3;
	s4 =	sand.u32 $0x1, s4  }
0xa: {  	s8 =	sshll.u32 s10, $0xA;
	s0 =	sadd.s32 $0x400, s0;
	_ =	strace $0x80000047  }
0xb: {  	s5 =	ssub.s32 $0x2, s4;
	s6 =	sshll.u32 s4, $0x9;
	[dreg:$0x5] =	wrdreg s0  }
0xc: {  	s30 =	sshrl.u32 s5, $0x1;
	s6 =	sor.u32 s6, s8;
	s8 =	sadd.s32 s8, s1  }
0xd: {  	s0 =	ssub.s32 s5, s30;
	s31 =	sshrl.u32 s6, $0x3;
	s9 =	sshll.u32 s6, $0x4  }
0xe: {  	s6 =	sshll.u32 s10, $0x3;
	s2 =	sadd.s32 s2, s31;
	s7 =	sadd.s32 s7, s9  }
0xf: {  	s16 =	smax.u32 s0, $0x1;
	[dreg:$0x6] =	wrdreg s2;
	s9 =	sadd.s32 $0x400, s7  }
0x10: {  	v0 =	vlaneseq.u32;
	s10 =	sadd.s32 $0x800, s7;
	s11 =	sadd.s32 $0xC00, s7;
	s12 =	sadd.s32 $0x1000, s7  }
0x11: {  	v0 =	vmul.u32 $0x65, v0;
	s13 =	sadd.s32 $0x1400, s7;
	s14 =	sadd.s32 $0x1800, s7;
	s15 =	sadd.s32 $0x1C00, s7  }
.LBB2_1:
0x12: {  	s0 =	rddreg [dreg:$0x5];
	s26 =	sadd.s32 $0x0, s6  }
0x13: {  	[tilespmem:s3], [sflag:$0x3] =	stream.linear.gather [hbm4b:s0+s3], $0x3280, $0x38;
	[tilespmem:$0xAA00] =	vst v63  }
0x14: {  	s19 =	rddreg [dreg:$0x6];
	v1 =	vadd.s32 s26, v0;
	s30 =	sadd.s32 $0x650, s26  }
0x15: {  	v2 =	vadd.s32 s30, v0;
	[tilespmem:s17], [sflag:$0x3] =	stream.linear.gather [hbm4b:s19+s3], $0x200, $0x38;
	[tilespmem:$0xAA00] =	vst v63  }
0x16: {  	_ =	swait.ge [sflag:s18], $0x3280  }
0x17: {  	s30 =	sadd.s32 $0x25E0, s26;
	[sflag:s18] =	ssyncset.done $0x0  }
0x18: {  	s31 =	sadd.s32 $0x2C30, s26;
	v3 =	vadd.s32 s30, v0;
	[sflag:s18] =	ssyncadd.s32 $0xFFFFCD80  }
0x19: {  	v4 =	vadd.s32 s31, v0;
	s30 =	sadd.s32 $0x12F0, s26;
	v1 =	vld.idx.msk [tilespmem:v1+s3+$0x0], $0xffff  }
0x1a: {  	v5 =	vadd.s32 s30, v0;
	s30 =	sadd.s32 $0xCA0, s26;
	v2 =	vld.idx.msk [tilespmem:v2+s3+$0x0], $0xffff  }
0x1b: {  	s31 =	sadd.s32 $0x1F90, s26;
	v7 =	vadd.s32 s30, v0  }
0x1c: {  	v6 =	vadd.s32 s31, v0  }
0x1d: {  	s26 =	sadd.s32 $0x1940, s26;
	v3 =	vld.idx.msk [tilespmem:v3+s3+$0x0], $0xffff  }
0x1e: {  	v8 =	vadd.s32 s26, v0;
	v4 =	vld.idx.msk [tilespmem:v4+s3+$0x0], $0xffff;
	v1 =	vsub.f32 $0.0e+00, v1  }
0x1f: {  	v5 =	vld.idx.msk [tilespmem:v5+s3+$0x0], $0xffff;
	v2 =	vsub.f32 $0.0e+00, v2  }
0x20: {  	v7 =	vld.idx.msk [tilespmem:v7+s3+$0x0], $0xffff;
	v1 =	vmul.f32 $1.442695020e+00, v1  }
0x21: {  	v6 =	vld.idx.msk [tilespmem:v6+s3+$0x0], $0xffff;
	v2 =	vmul.f32 $1.442695020e+00, v2  }
0x22: {  	v3 =	vsub.f32 $0.0e+00, v3;
	(erf) = vpow2.f32 v1  }
0x23: {  	v1 =	vld.idx.msk [tilespmem:v8+s3+$0x0], $0xffff;
	(erf) = vpow2.f32 v2;
	v2 =	vsub.f32 $0.0e+00, v4  }
0x24: {  	v59 =	vsub.f32 $0.0e+00, v5;
	v3 =	vmul.f32 $1.442695020e+00, v3  }
0x25: {  	v61 =	vsub.f32 $0.0e+00, v7;
	v2 =	vmul.f32 $1.442695020e+00, v2  }
0x26: {  	v60 =	vsub.f32 $0.0e+00, v6;
	v4 =	vmul.f32 $1.442695020e+00, v59;
	(erf) = vpow2.f32 v3  }
0x27: {  	(erf) = vpow2.f32 v2;
	v2 =	vmul.f32 $1.442695020e+00, v61  }
0x28: {  	v3 =	vmul.f32 $1.442695020e+00, v60;
	v1 =	vsub.f32 $0.0e+00, v1  }
0x29: {  	(erf) = vpow2.f32 v4  }
0x2a: {  	v1 =	vmul.f32 $1.442695020e+00, v1;
	(erf) = vpow2.f32 v3  }
0x2b: {  	(erf) = vpow2.f32 v2;
	v2 =	vpop (erf)  }
0x2c: {  	(erf) = vpow2.f32 v1;
	v1 =	vadd.f32 $1.000000000e+00, v2;
	v2 =	vpop (erf)  }
0x2d: {  	v2 =	vadd.f32 $1.000000000e+00, v2;
	_ =	sdelay $0x2  }
0x2e: {  	(erf) = vrcp.f32 v1;
	v1 =	vpop (erf)  }
0x2f: {  	(erf) = vrcp.f32 v2;
	v2 =	vpop (erf)  }
0x30: {  	v3 =	vpop (erf)  }
0x31: {  	v1 =	vadd.f32 $1.000000000e+00, v1;
	v3 =	vadd.f32 $1.000000000e+00, v3  }
0x32: {  	v2 =	vadd.f32 $1.000000000e+00, v2  }
0x33: {  	v62 =	vpop (erf);
	(erf) = vrcp.f32 v1  }
0x34: {  	v1 =	vadd.f32 $1.000000000e+00, v62;
	v63 =	vpop (erf);
	(erf) = vrcp.f32 v2  }
0x35: {  	v2 =	vadd.f32 $1.000000000e+00, v63;
	(erf) = vrcp.f32 v3;
	v3 =	vpop (erf)  }
0x36: {  	(erf) = vrcp.f32 v1;
	v3 =	vadd.f32 $1.000000000e+00, v3  }
0x37: {  	(erf) = vrcp.f32 v2  }
0x38: {  	(erf) = vrcp.f32 v3  }
0x39: {  	s26 =	simm.s32 $0x4040;
	v1 =	vpop (erf)  }
0x3a: {  	s31 =	simm.s32 $0x4040;
	s30 =	simm.s32 $0x1;
	[tilespmem:s26+$0xFFFFFFC0] =	vst v1;
	v1 =	vpop (erf)  }
.LBB2_2:
0x3b: {  	p0 =	sne.s32 s30, $0x7  }
0x3c: {  	[tilespmem:s26+$0xFFFFFFD0] =	vst v1;
	s31 =	sadd.s32 $0x80, s31;
	v1 =	vpop (erf);
	s0 =	smov.u32 s30;
	s30 =	sadd.s32 $0x1, s30  }
0x3d: {  	s0 =	sadd.s32 s0, s6;
	[tilespmem:s26+$0x20] =	vst v1;
	v1 =	vpop (erf)  }
0x3e: {  	v2 =	vadd.s32 s0, v0;
	s2 =	sadd.s32 $0x650, s0;
	s19 =	sadd.s32 $0xCA0, s0;
	s4 =	sadd.s32 $0x2C30, s0;
	[tilespmem:s26+$0x30] =	vst v1;
	v1 =	vpop (erf)  }
0x3f: {  	s5 =	sadd.s32 $0x25E0, s0;
	v3 =	vadd.s32 s2, v0;
	v4 =	vadd.s32 s19, v0;
	s2 =	sadd.s32 $0x1940, s0;
	s19 =	sadd.s32 $0x1F90, s0;
	[tilespmem:s26+$0xFFFFFFF0] =	vst v1;
	v1 =	vpop (erf)  }
0x40: {  	s0 =	sadd.s32 $0x12F0, s0;
	v7 =	vadd.s32 s5, v0;
	v5 =	vadd.s32 s2, v0;
	v6 =	vadd.s32 s19, v0;
	[tilespmem:s26+$0x10] =	vst v1;
	v1 =	vpop (erf)  }
0x41: {  	v8 =	vadd.s32 s4, v0;
	[tilespmem:s26+$0xFFFFFFE0] =	vst v1;
	v1 =	vpop (erf)  }
0x42: {  	v9 =	vadd.s32 s0, v0;
	[tilespmem:s26+$0x0] =	vst v1;
	s26 =	smov.u32 s31  }
0x43: {  	v1 =	vld.idx.msk [tilespmem:v2+s3+$0x0], $0xffff  }
0x44: {  	v2 =	vld.idx.msk [tilespmem:v3+s3+$0x0], $0xffff  }
0x45: {  	v3 =	vld.idx.msk [tilespmem:v7+s3+$0x0], $0xffff  }
0x46: {  	v7 =	vld.idx.msk [tilespmem:v8+s3+$0x0], $0xffff  }
0x47: {  	v8 =	vld.idx.msk [tilespmem:v9+s3+$0x0], $0xffff  }
0x48: {  	v6 =	vld.idx.msk [tilespmem:v6+s3+$0x0], $0xffff  }
0x49: {  	v1 =	vsub.f32 $0.0e+00, v1;
	v4 =	vld.idx.msk [tilespmem:v4+s3+$0x0], $0xffff  }
0x4a: {  	v2 =	vsub.f32 $0.0e+00, v2;
	v5 =	vld.idx.msk [tilespmem:v5+s3+$0x0], $0xffff  }
0x4b: {  	v1 =	vmul.f32 $1.442695020e+00, v1;
	v3 =	vsub.f32 $0.0e+00, v3  }
0x4c: {  	v2 =	vmul.f32 $1.442695020e+00, v2;
	v7 =	vsub.f32 $0.0e+00, v7  }
0x4d: {  	v8 =	vsub.f32 $0.0e+00, v8;
	v3 =	vmul.f32 $1.442695020e+00, v3;
	(erf) = vpow2.f32 v1  }
0x4e: {  	v1 =	vsub.f32 $0.0e+00, v6;
	v6 =	vmul.f32 $1.442695020e+00, v7;
	(erf) = vpow2.f32 v2  }
0x4f: {  	v2 =	vsub.f32 $0.0e+00, v4;
	v4 =	vmul.f32 $1.442695020e+00, v8;
	(erf) = vpow2.f32 v3  }
0x50: {  	v3 =	vsub.f32 $0.0e+00, v5;
	v1 =	vmul.f32 $1.442695020e+00, v1;
	(erf) = vpow2.f32 v6  }
0x51: {  	v2 =	vmul.f32 $1.442695020e+00, v2;
	(erf) = vpow2.f32 v4  }
0x52: {  	v3 =	vmul.f32 $1.442695020e+00, v3;
	(erf) = vpow2.f32 v1  }
0x53: {  	(erf) = vpow2.f32 v2  }
0x54: {  	(erf) = vpow2.f32 v3;
	_ =	sdelay $0x1  }
0x55: {  	v1 =	vpop (erf)  }
0x56: {  	v4 =	vadd.f32 $1.000000000e+00, v1;
	v2 =	vpop (erf)  }
0x57: {  	v5 =	vadd.f32 $1.000000000e+00, v2;
	v3 =	vpop (erf)  }
0x58: {  	v3 =	vadd.f32 $1.000000000e+00, v3;
	(erf) = vrcp.f32 v4;
	v1 =	vpop (erf)  }
0x59: {  	v1 =	vadd.f32 $1.000000000e+00, v1;
	(erf) = vrcp.f32 v5;
	v2 =	vpop (erf)  }
0x5a: {  	v5 =	vadd.f32 $1.000000000e+00, v2;
	v4 =	vpop (erf);
	(erf) = vrcp.f32 v3  }
0x5b: {  	v3 =	vadd.f32 $1.000000000e+00, v4;
	v4 =	vpop (erf);
	(erf) = vrcp.f32 v1  }
0x5c: {  	v1 =	vadd.f32 $1.000000000e+00, v4;
	(erf) = vrcp.f32 v5;
	v2 =	vpop (erf)  }
0x5d: {  	v2 =	vadd.f32 $1.000000000e+00, v2;
	(erf) = vrcp.f32 v3  }
.Ltmp0:
0x5e: {  	(erf) = vrcp.f32 v1;
	(pc) =	sbr.rel @p0 .LBB2_2-.Ltmp0, $3  }
0x5f: {  	(erf) = vrcp.f32 v2;
	_ =	sdelay $0x1  }
0x60: {  	v1 =	vpop (erf)  }
0x61: {  	[tilespmem:s31+$0xFFFFFFC0] =	vst v1;
	v1 =	vpop (erf)  }
0x62: {  	[tilespmem:s26+$0xFFFFFFD0] =	vst v1;
	v1 =	vpop (erf)  }
0x63: {  	[tilespmem:s26+$0x20] =	vst v1;
	v1 =	vpop (erf)  }
0x64: {  	[tilespmem:s26+$0x30] =	vst v1;
	v1 =	vpop (erf)  }
0x65: {  	[tilespmem:s26+$0xFFFFFFF0] =	vst v1;
	v1 =	vpop (erf)  }
0x66: {  	[tilespmem:s26+$0x10] =	vst v1;
	v1 =	vpop (erf)  }
0x67: {  	[tilespmem:s26+$0xFFFFFFE0] =	vst v1;
	v1 =	vpop (erf)  }
0x68: {  	s0 =	simm.s32 $0x4000;
	[tilespmem:s26+$0x0] =	vst v1  }
0x69: {  	[spmem:s8] =	stream.linear.scatter [tilespmem:s0], [sflag:$0x4], $0x400, $0x38;
	[tilespmem:$0xAA00] =	vst v63  }
0x6a: {  	_ =	swait.ge [sflag:s20], $0x400  }
0x6b: {  	[sflag:s20] =	ssyncset.done $0x0  }
0x6c: {  	[sflag:s20] =	ssyncadd.s32 $0xFFFFFC00  }
0x6d: {  	[bflag:$0x0] =	sbarrier.arrive $0xFFFF  }
0x6e: {  	_ =	swait.ge [sflag:s18], $0x200  }
0x6f: {  	[sflag:s18] =	ssyncset.done $0x0  }
0x70: {  	[sflag:s18] =	ssyncadd.s32 $0xFFFFFE00  }
0x71: {  	[tilespmem:s22], [sflag:$0x1] =	stream.indirect.gather [spmem:s1], $0x80, s17, s21, $0xb8;
	[tilespmem:$0xAA00] =	vst v63  }
0x72: {  	_ =	swait.ge [sflag:s23], $0x2000  }
0x73: {  	[sflag:s23] =	ssyncset.done $0x0  }
0x74: {  	s2 =	simm.s32 $0x4440;
	[sflag:s23] =	ssyncadd.s32 $0xFFFFE000  }
0x75: {  	[tilespmem:s25], [sflag:$0x1] =	stream.indirect.gather [spmem:s1], $0x80, s2, s21, $0xb8;
	[tilespmem:$0xAA00] =	vst v63  }
0x76: {  	_ = 	snop  }
0x77: {  	[hbm4b:s7+s3] =	stream.linear.scatter [tilespmem:s22], [sflag:$0x2], $0x2000, $0x38;
	[tilespmem:$0xAA00] =	vst v63  }
0x78: {  	_ =	swait.ge [sflag:s23], $0x2000  }
0x79: {  	[sflag:s23] =	ssyncset.done $0x0  }
0x7a: {  	s4 =	simm.s32 $0x4480;
	[sflag:s23] =	ssyncadd.s32 $0xFFFFE000  }
0x7b: {  	[tilespmem:s28], [sflag:$0x1] =	stream.indirect.gather [spmem:s1], $0x80, s4, s21, $0xb8;
	[tilespmem:$0xAA00] =	vst v63  }
0x7c: {  	_ = 	snop  }
0x7d: {  	[hbm4b:s9+s3] =	stream.linear.scatter [tilespmem:s25], [sflag:$0x2], $0x2000, $0x38;
	[tilespmem:$0xAA00] =	vst v63  }
0x7e: {  	_ =	swait.ge [sflag:s23], $0x2000  }
0x7f: {  	[sflag:s23] =	ssyncset.done $0x0  }
0x80: {  	[sflag:s23] =	ssyncadd.s32 $0xFFFFE000  }
0x81: {  	_ =	swait.ge [sflag:s29], $0x2000  }
0x82: {  	[sflag:s29] =	ssyncset.done $0x0  }
0x83: {  	s5 =	simm.s32 $0x44C0;
	[sflag:s29] =	ssyncadd.s32 $0xFFFFE000  }
0x84: {  	[tilespmem:s22], [sflag:$0x1] =	stream.indirect.gather [spmem:s1], $0x80, s5, s21, $0xb8;
	[tilespmem:$0xAA00] =	vst v63  }
0x85: {  	_ = 	snop  }
0x86: {  	[hbm4b:s10+s3] =	stream.linear.scatter [tilespmem:s28], [sflag:$0x2], $0x2000, $0x38;
	[tilespmem:$0xAA00] =	vst v63  }
0x87: {  	_ =	swait.ge [sflag:s23], $0x2000  }
0x88: {  	[sflag:s23] =	ssyncset.done $0x0  }
0x89: {  	[sflag:s23] =	ssyncadd.s32 $0xFFFFE000  }
0x8a: {  	_ =	swait.ge [sflag:s29], $0x2000  }
0x8b: {  	[sflag:s29] =	ssyncset.done $0x0  }
0x8c: {  	s19 =	simm.s32 $0x4500;
	[sflag:s29] =	ssyncadd.s32 $0xFFFFE000  }
0x8d: {  	[tilespmem:s25], [sflag:$0x1] =	stream.indirect.gather [spmem:s1], $0x80, s19, s21, $0xb8;
	[tilespmem:$0xAA00] =	vst v63  }
0x8e: {  	_ = 	snop  }
0x8f: {  	[hbm4b:s11+s3] =	stream.linear.scatter [tilespmem:s22], [sflag:$0x2], $0x2000, $0x38;
	[tilespmem:$0xAA00] =	vst v63  }
0x90: {  	_ =	swait.ge [sflag:s23], $0x2000  }
0x91: {  	[sflag:s23] =	ssyncset.done $0x0  }
0x92: {  	[sflag:s23] =	ssyncadd.s32 $0xFFFFE000  }
0x93: {  	_ =	swait.ge [sflag:s29], $0x2000  }
0x94: {  	[sflag:s29] =	ssyncset.done $0x0  }
0x95: {  	s26 =	simm.s32 $0x4540;
	[sflag:s29] =	ssyncadd.s32 $0xFFFFE000  }
0x96: {  	[tilespmem:s28], [sflag:$0x1] =	stream.indirect.gather [spmem:s1], $0x80, s26, s21, $0xb8;
	[tilespmem:$0xAA00] =	vst v63  }
0x97: {  	_ = 	snop  }
0x98: {  	[hbm4b:s12+s3] =	stream.linear.scatter [tilespmem:s25], [sflag:$0x2], $0x2000, $0x38;
	[tilespmem:$0xAA00] =	vst v63  }
0x99: {  	_ =	swait.ge [sflag:s23], $0x2000  }
0x9a: {  	[sflag:s23] =	ssyncset.done $0x0  }
0x9b: {  	[sflag:s23] =	ssyncadd.s32 $0xFFFFE000  }
0x9c: {  	_ =	swait.ge [sflag:s29], $0x2000  }
0x9d: {  	[sflag:s29] =	ssyncset.done $0x0  }
0x9e: {  	s30 =	simm.s32 $0x4580;
	[sflag:s29] =	ssyncadd.s32 $0xFFFFE000  }
0x9f: {  	[tilespmem:s22], [sflag:$0x1] =	stream.indirect.gather [spmem:s1], $0x80, s30, s21, $0xb8;
	[tilespmem:$0xAA00] =	vst v63  }
0xa0: {  	_ = 	snop  }
0xa1: {  	[hbm4b:s13+s3] =	stream.linear.scatter [tilespmem:s28], [sflag:$0x2], $0x2000, $0x38;
	[tilespmem:$0xAA00] =	vst v63  }
0xa2: {  	_ =	swait.ge [sflag:s23], $0x2000  }
0xa3: {  	[sflag:s23] =	ssyncset.done $0x0  }
0xa4: {  	[sflag:s23] =	ssyncadd.s32 $0xFFFFE000  }
0xa5: {  	_ =	swait.ge [sflag:s29], $0x2000  }
0xa6: {  	[sflag:s29] =	ssyncset.done $0x0  }
0xa7: {  	s31 =	simm.s32 $0x45C0;
	[sflag:s29] =	ssyncadd.s32 $0xFFFFE000  }
0xa8: {  	[tilespmem:s25], [sflag:$0x1] =	stream.indirect.gather [spmem:s1], $0x80, s31, s21, $0xb8;
	[tilespmem:$0xAA00] =	vst v63  }
0xa9: {  	_ = 	snop  }
0xaa: {  	[hbm4b:s14+s3] =	stream.linear.scatter [tilespmem:s22], [sflag:$0x2], $0x2000, $0x38;
	[tilespmem:$0xAA00] =	vst v63  }
0xab: {  	_ =	swait.ge [sflag:s23], $0x2000  }
0xac: {  	[sflag:s23] =	ssyncset.done $0x0  }
0xad: {  	[sflag:s23] =	ssyncadd.s32 $0xFFFFE000  }
0xae: {  	[hbm4b:s15+s3] =	stream.linear.scatter [tilespmem:s25], [sflag:$0x2], $0x2000, $0x38;
	[tilespmem:$0xAA00] =	vst v63  }
0xaf: {  	_ =	swait.ge [sflag:s29], $0x2000  }
0xb0: {  	[sflag:s29] =	ssyncset.done $0x0  }
0xb1: {  	s24 =	sadd.s32 $0x1, s24;
	[sflag:s29] =	ssyncadd.s32 $0xFFFFE000  }
0xb2: {  	p0 =	sne.s32 s24, s16;
	_ =	swait.ge [sflag:s29], $0x2000  }
.Ltmp1:
0xb3: {  	[sflag:s29] =	ssyncset.done $0x0;
	(pc) =	sbr.rel @p0 .LBB2_1-.Ltmp1, $4  }
0xb4: {  	[sflag:s29] =	ssyncadd.s32 $0xFFFFE000  }
0xb5: {  	_ =	swait.ge [sflag:s29], $0x2000  }
0xb6: {  	[sflag:s29] =	ssyncset.done $0x0  }
0xb7: {  	[sflag:s29] =	ssyncadd.s32 $0xFFFFE000  }
0xb8: {  	_ =	sfence.sel $0x180000  }
0xb9: {  	[bflag:$0x0] =	sbarrier.arrive $0xFFFF  }
0xba: {  	_ =	strace $0x90000047  }
0xbb: {  	s0 =	stileid.u32;
	[bflag:$0x2] =	sbarrier.arrive $0xFFFF  }
0xbc: {  	p0 =	sne.s32 s0, $0x0;
	s0 =	rddreg [dreg:$0x4]  }
0xbd: {  	s0 =	sadd.s32 @!p0 $0x100000, s0  }
0xbe: {  	[sflag:s0] =	ssyncadd.tile.s32 @!p0 $0x1;
	_ =	shalt  }
.Lfunc_end2:
_tile_overlayer_lowered:
.L_overlay_start_2:
0xbf: {  	(tag) =	ssettag $0x2  }
0xc0: {  	s0 =	rddreg [dreg:$0x0];
	s2 =	stileid.u32  }
0xc1: {  	s1 =	rddreg [dreg:$0x1];
	p0 =	sne.s32 s2, $0x0  }
0xc2: {  	s3 =	rddreg [dreg:$0x2];
	[bflag:$0x3] =	sbarrier.arrive $0xFFFF;
	s2 =	simm.s32 @!p0 $0x1C04  }
0xc3: {  	[timem:s3], [sflag:s2] =	dma.local @!p0 [hbm:s0], s1  }
0xc4: {  	s0 =	simm.s32 @!p0 $0x4  }
0xc5: {  	_ =	swait.ge @!p0 [sflag:s0], s1  }
0xc6: {  	s1 =	ssub.s32 @!p0 $0x0, s1;
	[sflag:s0] =	ssyncset.done @!p0 $0x0  }
0xc7: {  	[sflag:s0] =	ssyncadd.s32 @!p0 s1  }
0xc8: {  	[bflag:$0x3] =	sbarrier.arrive $0xFFFF  }
0xc9: {  	_ =	shalt  }

</sc_bundles>
